<compile_context>
chip_gen: v7x
topology: tpu7x:2x2x1
jax: 0.10.2.dev20260603
libtpu: 0.0.44.dev20260713+nightly
codegen_flags: <defaults>
</compile_context>

<pallas_src>
import functools

import jax
import jax.numpy as jnp
from jax import lax
from jax.experimental import pallas as pl
from jax.experimental.pallas import tpu as pltpu
from jax.experimental.pallas import tpu_sc as plsc

_B = 512


def _glu_body(meta_ref, tot_ref, xs_ref, wg_ref, wu_ref, wd_ref, aff_ref,
              out_ref):
    nb = pl.program_id(0)

    @pl.when(nb < tot_ref[0])
    def _():
        x = xs_ref[...]
        aff = aff_ref[0, 0][:, None]
        i_dim = wg_ref.shape[2]
        half = (i_dim // 2) // 128 * 128
        acc = None
        for s0, w in ((0, half), (half, i_dim - half)):
            wg = wg_ref[0, :, s0:s0 + w]
            wu = wu_ref[0, :, s0:s0 + w]
            g = jnp.dot(x, wg, preferred_element_type=jnp.float32)
            u = jnp.dot(x, wu, preferred_element_type=jnp.float32)
            act = (g * jax.nn.sigmoid(g)) * u * aff
            pd = jnp.dot(act.astype(jnp.bfloat16), wd_ref[0, s0:s0 + w, :],
                         preferred_element_type=jnp.float32)
            acc = pd if acc is None else acc + pd
        out_ref[...] = acc


def _grouped_glu(xs, wg, wu, wd, aff3, block_e, total_nb):
    p, h = xs.shape
    i_dim = wg.shape[2]
    nb = p // _B
    return pl.pallas_call(
        _glu_body,
        grid_spec=pltpu.PrefetchScalarGridSpec(
            num_scalar_prefetch=2,
            grid=(nb,),
            in_specs=[
                pl.BlockSpec(
                    (_B, h), lambda nb, m, t: (jnp.minimum(nb, t[0] - 1), 0)),
                pl.BlockSpec((1, h, i_dim), lambda nb, m, t: (m[nb], 0, 0)),
                pl.BlockSpec((1, h, i_dim), lambda nb, m, t: (m[nb], 0, 0)),
                pl.BlockSpec((1, i_dim, h), lambda nb, m, t: (m[nb], 0, 0)),
                pl.BlockSpec((1, 1, _B), lambda nb, m, t: (nb, 0, 0)),
            ],
            out_specs=pl.BlockSpec(
                (_B, h), lambda nb, m, t: (jnp.minimum(nb, t[0] - 1), 0)),
        ),
        out_shape=jax.ShapeDtypeStruct((p, h), jnp.float32),
        compiler_params=pltpu.CompilerParams(
            vmem_limit_bytes=100 * 1024 * 1024),
    )(block_e, total_nb, xs, wg, wu, wd, aff3)


_CT = 16


def _make_sc_combine(t, h, k, p):
    info = plsc.get_sparse_core_info()
    nw = info.num_cores * info.num_subcores
    tw = t // nw
    nch = tw // _CT
    mesh = plsc.VectorSubcoreMesh(core_axis_name="c", subcore_axis_name="s")

    @functools.partial(
        pl.kernel, mesh=mesh,
        out_type=jax.ShapeDtypeStruct((t, h), jnp.float32),
        scratch_types=[
            pltpu.VMEM((_CT,), jnp.int32),
            pltpu.VMEM((_CT,), jnp.int32),
            pltpu.VMEM((_CT, h), jnp.float32),
            pltpu.VMEM((_CT, h), jnp.float32),
            pltpu.SemaphoreType.DMA,
            pltpu.SemaphoreType.DMA,
        ],
    )
    def comb(os_hbm, pos_hbm, out_hbm, idx0, idx1, r0, r1, sem0, sem1):
        wid = lax.axis_index("s") * info.num_cores + lax.axis_index("c")
        base = wid * tw
        for ch in range(nch):
            tbase = base + ch * _CT
            pltpu.sync_copy(pos_hbm.at[pl.ds(tbase, _CT)], idx0)
            pltpu.sync_copy(pos_hbm.at[pl.ds(t + tbase, _CT)], idx1)
            cp0 = pltpu.async_copy(os_hbm.at[idx0], r0, sem0)
            cp1 = pltpu.async_copy(os_hbm.at[idx1], r1, sem1)
            cp0.wait()
            cp1.wait()

            def body(j, _):
                tkn = j // (h // 16)
                jj = (j % (h // 16)) * 16
                r0[tkn, pl.ds(jj, 16)] = (r0[tkn, pl.ds(jj, 16)]
                                          + r1[tkn, pl.ds(jj, 16)])
                return 0

            lax.fori_loop(0, _CT * (h // 16), body, 0)
            pltpu.sync_copy(r0, out_hbm.at[pl.ds(tbase, _CT)])

    return comb


def kernel(hidden_states, expert_affinities, expert_index, seq_len,
           W_gate, W_up, W_down):
    t, h = hidden_states.shape
    e = W_gate.shape[0]
    k = expert_index.shape[1]
    tk = t * k
    nb_max = tk // _B + e
    p = nb_max * _B

    flat_e = expert_index.reshape(tk).astype(jnp.int32)
    oneh = (flat_e[:, None] == jnp.arange(e, dtype=jnp.int32)[None, :]
            ).astype(jnp.int32)
    counts = oneh.sum(0)
    rank = jnp.take_along_axis(jnp.cumsum(oneh, axis=0) - oneh,
                               flat_e[:, None], axis=1)[:, 0]
    nbe = (counts + _B - 1) // _B
    blk_start = jnp.concatenate(
        [jnp.zeros(1, jnp.int32), jnp.cumsum(nbe).astype(jnp.int32)])
    row_start = blk_start[:e] * _B
    pos = row_start[flat_e] + rank
    total_nb = blk_start[e].reshape(1)
    nb_ids = jnp.arange(nb_max, dtype=jnp.int32)
    block_e = jnp.clip(
        jnp.sum(nb_ids[:, None] >= blk_start[None, :e], axis=1) - 1, 0, e - 1
    ).astype(jnp.int32)
    block_e = jnp.where(nb_ids < total_nb[0], block_e,
                        block_e[total_nb[0] - 1])

    aff_tk = jnp.take_along_axis(expert_affinities, expert_index, axis=1)
    aff_tk = aff_tk / jnp.sum(aff_tk, axis=-1, keepdims=True)
    valid = (jnp.arange(t) < seq_len).astype(aff_tk.dtype)
    aff_tk = aff_tk * valid[:, None]

    tok_of_pos = jnp.zeros(p, jnp.int32).at[pos].set(
        jnp.arange(tk, dtype=jnp.int32) // k)
    aff_sorted = jnp.zeros(p, jnp.float32).at[pos].set(aff_tk.reshape(tk))
    aff3 = aff_sorted.reshape(nb_max, 1, _B)

    xb = hidden_states.astype(jnp.bfloat16)
    xs = xb[tok_of_pos]

    wg = W_gate.astype(jnp.bfloat16)
    wu = W_up.astype(jnp.bfloat16)
    wd = W_down.astype(jnp.bfloat16)
    out_sorted = _grouped_glu(xs, wg, wu, wd, aff3, block_e, total_nb)

    pos_km = jnp.transpose(pos.reshape(t, k)).reshape(tk).astype(jnp.int32)
    return _make_sc_combine(t, h, k, p)(out_sorted, pos_km)

# --- scband reference (transcript-rebuilt; emitter-appended) ---
"""Pipeline reference for scband-expert-mo-eclass-53025666236545 (READ-ONLY COPY).

The authoritative reference and input builder live on the scoring server;
editing this copy changes nothing except your own understanding.
"""

import jax, jax.numpy as jnp
import numpy as np

E = 8
H = 2048
I = 1408
K = 2
T = 2048


def setup_inputs(seed: int = 0) -> dict:
    key = jax.random.key(seed)
    ks = jax.random.split(key, 6)
    hidden_states = jax.random.normal(ks[0], (T, H), dtype=jnp.float32)
    expert_affinities = jax.random.uniform(ks[1], (T, E), dtype=jnp.float32)
    expert_index = jax.random.randint(ks[2], (T, K), 0, E)
    W_gate = jax.random.normal(ks[3], (E, H, I), dtype=jnp.float32) * 0.02
    W_up = jax.random.normal(ks[4], (E, H, I), dtype=jnp.float32) * 0.02
    W_down = jax.random.normal(ks[5], (E, I, H), dtype=jnp.float32) * 0.02
    return {
        "hidden_states": hidden_states,
        "expert_affinities": expert_affinities,
        "expert_index": expert_index,
        "seq_len": T,
        "W_gate": W_gate,
        "W_up": W_up,
        "W_down": W_down,
    }


def reference(hidden_states, expert_affinities, expert_index, seq_len, W_gate, W_up, W_down):
    # ExpertMLPsV2 forward: top-k routed GLU expert MLPs with normalized top-k affinities.
    t = hidden_states.shape[0]
    valid = (jnp.arange(t) < seq_len).astype(hidden_states.dtype)  # [T]
    x = hidden_states  # [T, H]
    idx = expert_index  # [T, K] int
    aff_full = expert_affinities  # [T, E]

    # gather top-k affinities and normalize (normalize_top_k_affinities=True)
    aff = jnp.take_along_axis(aff_full, idx, axis=1)  # [T, K]
    aff = aff / jnp.sum(aff, axis=-1, keepdims=True)
    aff = aff * valid[:, None]

    # per-expert GLU MLP computed for all tokens, then combined by routing gather
    gate = jnp.einsum('th,ehi->eti', x, W_gate)  # [E, T, I]
    up = jnp.einsum('th,ehi->eti', x, W_up)      # [E, T, I]
    act = jax.nn.silu(gate) * up                  # glu_mlp=True, hidden_act=silu
    out_e = jnp.einsum('eti,eih->eth', act, W_down)  # [E, T, H]

    tok = jnp.arange(x.shape[0])
    out = jnp.zeros_like(x)
    for k in range(K):
        out = out + aff[:, k:k + 1] * out_e[idx[:, k], tok]  # gather per-token expert output
    # (tensor-parallel all-reduce is identity on a single shard)
    return out

if __name__ == "__main__":
    import jax
    _d = setup_inputs()
    print(jax.jit(kernel)(*tuple(_d.values())))

</pallas_src>

<mosaic_0001>
#map = affine_map<(d0, d1) -> (0, 0)>
#map1 = affine_map<(d0, d1) -> (0)>
module attributes {stable_mosaic.version = 14 : i64} {
  func.func @comb(%arg0: i32, %arg1: i32, %arg2: memref<8192x2048xf32, #tpu.memory_space<hbm>>, %arg3: memref<4096xi32, #tpu.memory_space<hbm>>, %arg4: memref<2048x2048xf32, #tpu.memory_space<hbm>>, %arg5: memref<16xi32, #tpu.memory_space<vmem>>, %arg6: memref<16xi32, #tpu.memory_space<vmem>>, %arg7: memref<16x2048xf32, #tpu.memory_space<vmem>>, %arg8: memref<16x2048xf32, #tpu.memory_space<vmem>>, %arg9: memref<!tpu.dma_semaphore, #tpu.memory_space<semaphore_mem>>, %arg10: memref<!tpu.dma_semaphore, #tpu.memory_space<semaphore_mem>>) attributes {dimension_semantics = [#tpu.dimension_semantics<core_parallel>, #tpu.dimension_semantics<subcore_parallel>], iteration_bounds = array<i64: 2, 16>, scalar_prefetch = 0 : i64, scratch_operands = 6 : i64, tpu.core_type = #tpu.core_type<sc_vector_subcore>, window_params = [{transform_indices = #map}, {transform_indices = #map1}, {transform_indices = #map}]} {
    %mul3A = arith.constant 2 : i32
    %mul3A_0 = arith.muli %arg1, %mul3A : i32
    %add3A = arith.addi %mul3A_0, %arg0 : i32
    %mul3A_1 = arith.constant 64 : i32
    %mul3A_2 = arith.muli %add3A, %mul3A_1 : i32
    %add3A_3 = arith.constant 0 : i32
    %add3A_4 = arith.addi %mul3A_2, %add3A_3 : i32
    "tpu.region"() ({
      %run_scoped3A = tpu.sem_alloc : memref<!tpu.dma_semaphore, #tpu.memory_space<semaphore_mem>>
      %dma_start3A_92 = tpu.memref_slice %arg3[%add3A_4] : memref<4096xi32, #tpu.memory_space<hbm>> -> memref<16xi32, #tpu.memory_space<hbm>>
      %dma_start3A_93 = tpu.memref_slice %arg3[%add3A_4] : memref<4096xi32, #tpu.memory_space<hbm>> -> memref<16xi32, #tpu.memory_space<hbm>>
      tpu.enqueue_dma source(%dma_start3A_93 : memref<16xi32, #tpu.memory_space<hbm>>) target(%arg5 : memref<16xi32, #tpu.memory_space<vmem>>) target_semaphore(%run_scoped3A : memref<!tpu.dma_semaphore, #tpu.memory_space<semaphore_mem>>)
      %dma_wait3A_94 = tpu.memref_slice %arg3[%add3A_4] : memref<4096xi32, #tpu.memory_space<hbm>> -> memref<16xi32, #tpu.memory_space<hbm>>
      %dma_wait3A_95 = tpu.memref_slice %arg3[%add3A_4] : memref<4096xi32, #tpu.memory_space<hbm>> -> memref<16xi32, #tpu.memory_space<hbm>>
      tpu.wait_dma2 semaphore(%run_scoped3A : memref<!tpu.dma_semaphore, #tpu.memory_space<semaphore_mem>>) src(%dma_wait3A_95 : memref<16xi32, #tpu.memory_space<hbm>>) dst(%arg5 : memref<16xi32, #tpu.memory_space<vmem>>)
      tpu.yield
    }) : () -> ()
    %add3A_5 = arith.constant 2048 : i32
    %add3A_6 = arith.addi %add3A_5, %add3A_4 : i32
    "tpu.region"() ({
      %run_scoped3A = tpu.sem_alloc : memref<!tpu.dma_semaphore, #tpu.memory_space<semaphore_mem>>
      %dma_start3A_92 = tpu.memref_slice %arg3[%add3A_6] : memref<4096xi32, #tpu.memory_space<hbm>> -> memref<16xi32, #tpu.memory_space<hbm>>
      %dma_start3A_93 = tpu.memref_slice %arg3[%add3A_6] : memref<4096xi32, #tpu.memory_space<hbm>> -> memref<16xi32, #tpu.memory_space<hbm>>
      tpu.enqueue_dma source(%dma_start3A_93 : memref<16xi32, #tpu.memory_space<hbm>>) target(%arg6 : memref<16xi32, #tpu.memory_space<vmem>>) target_semaphore(%run_scoped3A : memref<!tpu.dma_semaphore, #tpu.memory_space<semaphore_mem>>)
      %dma_wait3A_94 = tpu.memref_slice %arg3[%add3A_6] : memref<4096xi32, #tpu.memory_space<hbm>> -> memref<16xi32, #tpu.memory_space<hbm>>
      %dma_wait3A_95 = tpu.memref_slice %arg3[%add3A_6] : memref<4096xi32, #tpu.memory_space<hbm>> -> memref<16xi32, #tpu.memory_space<hbm>>
      tpu.wait_dma2 semaphore(%run_scoped3A : memref<!tpu.dma_semaphore, #tpu.memory_space<semaphore_mem>>) src(%dma_wait3A_95 : memref<16xi32, #tpu.memory_space<hbm>>) dst(%arg6 : memref<16xi32, #tpu.memory_space<vmem>>)
      tpu.yield
    }) : () -> ()
    %dma_start3A = arith.constant 0 : i32
    %dma_start3A_7 = arith.constant 0 : i32
    %dma_start3A_8 = tpu.memref_slice %arg2[%dma_start3A, %dma_start3A_7] : memref<8192x2048xf32, #tpu.memory_space<hbm>> -> memref<8192x2048xf32, #tpu.memory_space<hbm>>
    tpu.enqueue_indirect_dma source(%dma_start3A_8 : memref<8192x2048xf32, #tpu.memory_space<hbm>>) target(%arg7 : memref<16x2048xf32, #tpu.memory_space<vmem>>) offsets(%arg5 : memref<16xi32, #tpu.memory_space<vmem>>) semaphore(%arg9 : memref<!tpu.dma_semaphore, #tpu.memory_space<semaphore_mem>>)
    %dma_start3A_9 = arith.constant 0 : i32
    %dma_start3A_10 = arith.constant 0 : i32
    %dma_start3A_11 = tpu.memref_slice %arg2[%dma_start3A_9, %dma_start3A_10] : memref<8192x2048xf32, #tpu.memory_space<hbm>> -> memref<8192x2048xf32, #tpu.memory_space<hbm>>
    tpu.enqueue_indirect_dma source(%dma_start3A_11 : memref<8192x2048xf32, #tpu.memory_space<hbm>>) target(%arg8 : memref<16x2048xf32, #tpu.memory_space<vmem>>) offsets(%arg6 : memref<16xi32, #tpu.memory_space<vmem>>) semaphore(%arg10 : memref<!tpu.dma_semaphore, #tpu.memory_space<semaphore_mem>>)
    %dma_wait3A = arith.constant 0 : i32
    %dma_wait3A_12 = arith.constant 0 : i32
    %dma_wait3A_13 = tpu.memref_slice %arg2[%dma_wait3A, %dma_wait3A_12] : memref<8192x2048xf32, #tpu.memory_space<hbm>> -> memref<8192x2048xf32, #tpu.memory_space<hbm>>
    tpu.wait_indirect_dma semaphore(%arg9 : memref<!tpu.dma_semaphore, #tpu.memory_space<semaphore_mem>>) src(%dma_wait3A_13 : memref<8192x2048xf32, #tpu.memory_space<hbm>>) dst(%arg7 : memref<16x2048xf32, #tpu.memory_space<vmem>>)
    %dma_wait3A_14 = arith.constant 0 : i32
    %dma_wait3A_15 = arith.constant 0 : i32
    %dma_wait3A_16 = tpu.memref_slice %arg2[%dma_wait3A_14, %dma_wait3A_15] : memref<8192x2048xf32, #tpu.memory_space<hbm>> -> memref<8192x2048xf32, #tpu.memory_space<hbm>>
    tpu.wait_indirect_dma semaphore(%arg10 : memref<!tpu.dma_semaphore, #tpu.memory_space<semaphore_mem>>) src(%dma_wait3A_16 : memref<8192x2048xf32, #tpu.memory_space<hbm>>) dst(%arg8 : memref<16x2048xf32, #tpu.memory_space<vmem>>)
    %scan3A = arith.constant 0 : i32
    %scan3A_17 = arith.constant 0 : i32
    %scan3A_18 = arith.constant 2048 : i32
    %scan3A_19 = arith.addi %scan3A_17, %scan3A_18 : i32
    %scan3A_20 = arith.constant 1 : i32
    %scan3A_21 = scf.for %scan3A_92 = %scan3A_17 to %scan3A_19 step %scan3A_20 iter_args(%scan3A_93 = %scan3A) -> (i32)  : i32 {
      %jit3A = arith.constant 128 : i32
      %div3A = arith.divsi %scan3A_92, %jit3A : i32
      %sign3A = arith.constant 0 : i32
      %sign3A_94 = arith.cmpi sgt, %scan3A_92, %sign3A : i32
      %sign3A_95 = arith.extui %sign3A_94 : i1 to i32
      %sign3A_96 = arith.constant 0 : i32
      %sign3A_97 = arith.cmpi slt, %scan3A_92, %sign3A_96 : i32
      %sign3A_98 = arith.extui %sign3A_97 : i1 to i32
      %sign3A_99 = arith.subi %sign3A_95, %sign3A_98 : i32
      %sign3A_100 = arith.constant 0 : i32
      %sign3A_101 = arith.cmpi sgt, %jit3A, %sign3A_100 : i32
      %sign3A_102 = arith.extui %sign3A_101 : i1 to i32
      %sign3A_103 = arith.constant 0 : i32
      %sign3A_104 = arith.cmpi slt, %jit3A, %sign3A_103 : i32
      %sign3A_105 = arith.extui %sign3A_104 : i1 to i32
      %sign3A_106 = arith.subi %sign3A_102, %sign3A_105 : i32
      %ne3A = arith.cmpi ne, %sign3A_99, %sign3A_106 : i32
      %rem3A = arith.remsi %scan3A_92, %jit3A : i32
      %ne3A_107 = arith.constant 0 : i32
      %ne3A_108 = arith.cmpi ne, %rem3A, %ne3A_107 : i32
      %and3A = arith.andi %ne3A, %ne3A_108 : i1
      %sub3A = arith.constant 1 : i32
      %sub3A_109 = arith.subi %div3A, %sub3A : i32
      %select_n3A = arith.select %and3A, %sub3A_109, %div3A : i32
      %jit3A_110 = arith.constant 128 : i32
      %eq3A = arith.constant 0 : i32
      %eq3A_111 = arith.cmpi eq, %jit3A_110, %eq3A : i32
      %jit3A_112 = arith.constant 1 : i32
      %select_n3A_113 = arith.select %eq3A_111, %jit3A_112, %jit3A_110 : i32
      %rem3A_114 = arith.remsi %scan3A_92, %select_n3A_113 : i32
      %ne3A_115 = arith.constant 0 : i32
      %ne3A_116 = arith.cmpi ne, %rem3A_114, %ne3A_115 : i32
      %lt3A = arith.constant 0 : i32
      %lt3A_117 = arith.cmpi slt, %rem3A_114, %lt3A : i32
      %lt3A_118 = arith.constant 0 : i32
      %lt3A_119 = arith.cmpi slt, %select_n3A_113, %lt3A_118 : i32
      %ne3A_120 = arith.xori %lt3A_117, %lt3A_119 : i1
      %and3A_121 = arith.andi %ne3A_120, %ne3A_116 : i1
      %add3A_122 = arith.addi %rem3A_114, %select_n3A_113 : i32
      %select_n3A_123 = arith.select %and3A_121, %add3A_122, %rem3A_114 : i32
      %mul3A_124 = arith.constant 16 : i32
      %mul3A_125 = arith.muli %select_n3A_123, %mul3A_124 : i32
      %get3A = arith.index_cast %select_n3A : i32 to index
      %get3A_126 = arith.index_cast %mul3A_125 : i32 to index
      %get3A_127 = tpu.vector_load %arg7[%get3A, %get3A_126] {strides = array<i32>} : memref<16x2048xf32, #tpu.memory_space<vmem>>, vector<1x16xf32>,
      %get3A_128 = vector.shape_cast %get3A_127 : vector<1x16xf32> to vector<16xf32>
      %get3A_129 = arith.index_cast %select_n3A : i32 to index
      %get3A_130 = arith.index_cast %mul3A_125 : i32 to index
      %get3A_131 = tpu.vector_load %arg8[%get3A_129, %get3A_130] {strides = array<i32>} : memref<16x2048xf32, #tpu.memory_space<vmem>>, vector<1x16xf32>,
      %get3A_132 = vector.shape_cast %get3A_131 : vector<1x16xf32> to vector<16xf32>
      %add3A_133 = arith.addf %get3A_128, %get3A_132 : vector<16xf32>
      %swap3A = arith.index_cast %select_n3A : i32 to index
      %swap3A_134 = arith.index_cast %mul3A_125 : i32 to index
      %swap3A_135 = tpu.vector_load %arg7[%swap3A, %swap3A_134] {strides = array<i32>} : memref<16x2048xf32, #tpu.memory_space<vmem>>, vector<1x16xf32>,
      %swap3A_136 = vector.shape_cast %swap3A_135 : vector<1x16xf32> to vector<16xf32>
      %swap3A_137 = vector.shape_cast %add3A_133 : vector<16xf32> to vector<1x16xf32>
      tpu.vector_store %arg7[%swap3A, %swap3A_134], %swap3A_137 {strides = array<i32>} : memref<16x2048xf32, #tpu.memory_space<vmem>>, vector<1x16xf32>,
      %scan3A_138 = arith.constant 0 : i32
      scf.yield %scan3A_138 : i32
    }
    %scan3A_22 = arith.constant 2048 : i32
    "tpu.region"() ({
      %run_scoped3A = tpu.sem_alloc : memref<!tpu.dma_semaphore, #tpu.memory_space<semaphore_mem>>
      %dma_start3A_92 = arith.constant 0 : i32
      %dma_start3A_93 = tpu.memref_slice %arg4[%add3A_4, %dma_start3A_92] : memref<2048x2048xf32, #tpu.memory_space<hbm>> -> memref<16x2048xf32, #tpu.memory_space<hbm>>
      %dma_start3A_94 = arith.constant 0 : i32
      %dma_start3A_95 = tpu.memref_slice %arg4[%add3A_4, %dma_start3A_94] : memref<2048x2048xf32, #tpu.memory_space<hbm>> -> memref<16x2048xf32, #tpu.memory_space<hbm>>
      tpu.enqueue_dma source(%arg7 : memref<16x2048xf32, #tpu.memory_space<vmem>>) target(%dma_start3A_95 : memref<16x2048xf32, #tpu.memory_space<hbm>>) target_semaphore(%run_scoped3A : memref<!tpu.dma_semaphore, #tpu.memory_space<semaphore_mem>>)
      %dma_wait3A_96 = arith.constant 0 : i32
      %dma_wait3A_97 = tpu.memref_slice %arg4[%add3A_4, %dma_wait3A_96] : memref<2048x2048xf32, #tpu.memory_space<hbm>> -> memref<16x2048xf32, #tpu.memory_space<hbm>>
      %dma_wait3A_98 = arith.constant 0 : i32
      %dma_wait3A_99 = tpu.memref_slice %arg4[%add3A_4, %dma_wait3A_98] : memref<2048x2048xf32, #tpu.memory_space<hbm>> -> memref<16x2048xf32, #tpu.memory_space<hbm>>
      tpu.wait_dma2 semaphore(%run_scoped3A : memref<!tpu.dma_semaphore, #tpu.memory_space<semaphore_mem>>) src(%arg7 : memref<16x2048xf32, #tpu.memory_space<vmem>>) dst(%dma_wait3A_99 : memref<16x2048xf32, #tpu.memory_space<hbm>>)
      tpu.yield
    }) : () -> ()
    %add3A_23 = arith.constant 16 : i32
    %add3A_24 = arith.addi %mul3A_2, %add3A_23 : i32
    "tpu.region"() ({
      %run_scoped3A = tpu.sem_alloc : memref<!tpu.dma_semaphore, #tpu.memory_space<semaphore_mem>>
      %dma_start3A_92 = tpu.memref_slice %arg3[%add3A_24] : memref<4096xi32, #tpu.memory_space<hbm>> -> memref<16xi32, #tpu.memory_space<hbm>>
      %dma_start3A_93 = tpu.memref_slice %arg3[%add3A_24] : memref<4096xi32, #tpu.memory_space<hbm>> -> memref<16xi32, #tpu.memory_space<hbm>>
      tpu.enqueue_dma source(%dma_start3A_93 : memref<16xi32, #tpu.memory_space<hbm>>) target(%arg5 : memref<16xi32, #tpu.memory_space<vmem>>) target_semaphore(%run_scoped3A : memref<!tpu.dma_semaphore, #tpu.memory_space<semaphore_mem>>)
      %dma_wait3A_94 = tpu.memref_slice %arg3[%add3A_24] : memref<4096xi32, #tpu.memory_space<hbm>> -> memref<16xi32, #tpu.memory_space<hbm>>
      %dma_wait3A_95 = tpu.memref_slice %arg3[%add3A_24] : memref<4096xi32, #tpu.memory_space<hbm>> -> memref<16xi32, #tpu.memory_space<hbm>>
      tpu.wait_dma2 semaphore(%run_scoped3A : memref<!tpu.dma_semaphore, #tpu.memory_space<semaphore_mem>>) src(%dma_wait3A_95 : memref<16xi32, #tpu.memory_space<hbm>>) dst(%arg5 : memref<16xi32, #tpu.memory_space<vmem>>)
      tpu.yield
    }) : () -> ()
    %add3A_25 = arith.constant 2048 : i32
    %add3A_26 = arith.addi %add3A_25, %add3A_24 : i32
    "tpu.region"() ({
      %run_scoped3A = tpu.sem_alloc : memref<!tpu.dma_semaphore, #tpu.memory_space<semaphore_mem>>
      %dma_start3A_92 = tpu.memref_slice %arg3[%add3A_26] : memref<4096xi32, #tpu.memory_space<hbm>> -> memref<16xi32, #tpu.memory_space<hbm>>
      %dma_start3A_93 = tpu.memref_slice %arg3[%add3A_26] : memref<4096xi32, #tpu.memory_space<hbm>> -> memref<16xi32, #tpu.memory_space<hbm>>
      tpu.enqueue_dma source(%dma_start3A_93 : memref<16xi32, #tpu.memory_space<hbm>>) target(%arg6 : memref<16xi32, #tpu.memory_space<vmem>>) target_semaphore(%run_scoped3A : memref<!tpu.dma_semaphore, #tpu.memory_space<semaphore_mem>>)
      %dma_wait3A_94 = tpu.memref_slice %arg3[%add3A_26] : memref<4096xi32, #tpu.memory_space<hbm>> -> memref<16xi32, #tpu.memory_space<hbm>>
      %dma_wait3A_95 = tpu.memref_slice %arg3[%add3A_26] : memref<4096xi32, #tpu.memory_space<hbm>> -> memref<16xi32, #tpu.memory_space<hbm>>
      tpu.wait_dma2 semaphore(%run_scoped3A : memref<!tpu.dma_semaphore, #tpu.memory_space<semaphore_mem>>) src(%dma_wait3A_95 : memref<16xi32, #tpu.memory_space<hbm>>) dst(%arg6 : memref<16xi32, #tpu.memory_space<vmem>>)
      tpu.yield
    }) : () -> ()
    %dma_start3A_27 = arith.constant 0 : i32
    %dma_start3A_28 = arith.constant 0 : i32
    %dma_start3A_29 = tpu.memref_slice %arg2[%dma_start3A_27, %dma_start3A_28] : memref<8192x2048xf32, #tpu.memory_space<hbm>> -> memref<8192x2048xf32, #tpu.memory_space<hbm>>
    tpu.enqueue_indirect_dma source(%dma_start3A_29 : memref<8192x2048xf32, #tpu.memory_space<hbm>>) target(%arg7 : memref<16x2048xf32, #tpu.memory_space<vmem>>) offsets(%arg5 : memref<16xi32, #tpu.memory_space<vmem>>) semaphore(%arg9 : memref<!tpu.dma_semaphore, #tpu.memory_space<semaphore_mem>>)
    %dma_start3A_30 = arith.constant 0 : i32
    %dma_start3A_31 = arith.constant 0 : i32
    %dma_start3A_32 = tpu.memref_slice %arg2[%dma_start3A_30, %dma_start3A_31] : memref<8192x2048xf32, #tpu.memory_space<hbm>> -> memref<8192x2048xf32, #tpu.memory_space<hbm>>
    tpu.enqueue_indirect_dma source(%dma_start3A_32 : memref<8192x2048xf32, #tpu.memory_space<hbm>>) target(%arg8 : memref<16x2048xf32, #tpu.memory_space<vmem>>) offsets(%arg6 : memref<16xi32, #tpu.memory_space<vmem>>) semaphore(%arg10 : memref<!tpu.dma_semaphore, #tpu.memory_space<semaphore_mem>>)
    %dma_wait3A_33 = arith.constant 0 : i32
    %dma_wait3A_34 = arith.constant 0 : i32
    %dma_wait3A_35 = tpu.memref_slice %arg2[%dma_wait3A_33, %dma_wait3A_34] : memref<8192x2048xf32, #tpu.memory_space<hbm>> -> memref<8192x2048xf32, #tpu.memory_space<hbm>>
    tpu.wait_indirect_dma semaphore(%arg9 : memref<!tpu.dma_semaphore, #tpu.memory_space<semaphore_mem>>) src(%dma_wait3A_35 : memref<8192x2048xf32, #tpu.memory_space<hbm>>) dst(%arg7 : memref<16x2048xf32, #tpu.memory_space<vmem>>)
    %dma_wait3A_36 = arith.constant 0 : i32
    %dma_wait3A_37 = arith.constant 0 : i32
    %dma_wait3A_38 = tpu.memref_slice %arg2[%dma_wait3A_36, %dma_wait3A_37] : memref<8192x2048xf32, #tpu.memory_space<hbm>> -> memref<8192x2048xf32, #tpu.memory_space<hbm>>
    tpu.wait_indirect_dma semaphore(%arg10 : memref<!tpu.dma_semaphore, #tpu.memory_space<semaphore_mem>>) src(%dma_wait3A_38 : memref<8192x2048xf32, #tpu.memory_space<hbm>>) dst(%arg8 : memref<16x2048xf32, #tpu.memory_space<vmem>>)
    %scan3A_39 = arith.constant 0 : i32
    %scan3A_40 = arith.constant 0 : i32
    %scan3A_41 = arith.constant 2048 : i32
    %scan3A_42 = arith.addi %scan3A_40, %scan3A_41 : i32
    %scan3A_43 = arith.constant 1 : i32
    %scan3A_44 = scf.for %scan3A_92 = %scan3A_40 to %scan3A_42 step %scan3A_43 iter_args(%scan3A_93 = %scan3A_39) -> (i32)  : i32 {
      %jit3A = arith.constant 128 : i32
      %div3A = arith.divsi %scan3A_92, %jit3A : i32
      %sign3A = arith.constant 0 : i32
      %sign3A_94 = arith.cmpi sgt, %scan3A_92, %sign3A : i32
      %sign3A_95 = arith.extui %sign3A_94 : i1 to i32
      %sign3A_96 = arith.constant 0 : i32
      %sign3A_97 = arith.cmpi slt, %scan3A_92, %sign3A_96 : i32
      %sign3A_98 = arith.extui %sign3A_97 : i1 to i32
      %sign3A_99 = arith.subi %sign3A_95, %sign3A_98 : i32
      %sign3A_100 = arith.constant 0 : i32
      %sign3A_101 = arith.cmpi sgt, %jit3A, %sign3A_100 : i32
      %sign3A_102 = arith.extui %sign3A_101 : i1 to i32
      %sign3A_103 = arith.constant 0 : i32
      %sign3A_104 = arith.cmpi slt, %jit3A, %sign3A_103 : i32
      %sign3A_105 = arith.extui %sign3A_104 : i1 to i32
      %sign3A_106 = arith.subi %sign3A_102, %sign3A_105 : i32
      %ne3A = arith.cmpi ne, %sign3A_99, %sign3A_106 : i32
      %rem3A = arith.remsi %scan3A_92, %jit3A : i32
      %ne3A_107 = arith.constant 0 : i32
      %ne3A_108 = arith.cmpi ne, %rem3A, %ne3A_107 : i32
      %and3A = arith.andi %ne3A, %ne3A_108 : i1
      %sub3A = arith.constant 1 : i32
      %sub3A_109 = arith.subi %div3A, %sub3A : i32
      %select_n3A = arith.select %and3A, %sub3A_109, %div3A : i32
      %jit3A_110 = arith.constant 128 : i32
      %eq3A = arith.constant 0 : i32
      %eq3A_111 = arith.cmpi eq, %jit3A_110, %eq3A : i32
      %jit3A_112 = arith.constant 1 : i32
      %select_n3A_113 = arith.select %eq3A_111, %jit3A_112, %jit3A_110 : i32
      %rem3A_114 = arith.remsi %scan3A_92, %select_n3A_113 : i32
      %ne3A_115 = arith.constant 0 : i32
      %ne3A_116 = arith.cmpi ne, %rem3A_114, %ne3A_115 : i32
      %lt3A = arith.constant 0 : i32
      %lt3A_117 = arith.cmpi slt, %rem3A_114, %lt3A : i32
      %lt3A_118 = arith.constant 0 : i32
      %lt3A_119 = arith.cmpi slt, %select_n3A_113, %lt3A_118 : i32
      %ne3A_120 = arith.xori %lt3A_117, %lt3A_119 : i1
      %and3A_121 = arith.andi %ne3A_120, %ne3A_116 : i1
      %add3A_122 = arith.addi %rem3A_114, %select_n3A_113 : i32
      %select_n3A_123 = arith.select %and3A_121, %add3A_122, %rem3A_114 : i32
      %mul3A_124 = arith.constant 16 : i32
      %mul3A_125 = arith.muli %select_n3A_123, %mul3A_124 : i32
      %get3A = arith.index_cast %select_n3A : i32 to index
      %get3A_126 = arith.index_cast %mul3A_125 : i32 to index
      %get3A_127 = tpu.vector_load %arg7[%get3A, %get3A_126] {strides = array<i32>} : memref<16x2048xf32, #tpu.memory_space<vmem>>, vector<1x16xf32>,
      %get3A_128 = vector.shape_cast %get3A_127 : vector<1x16xf32> to vector<16xf32>
      %get3A_129 = arith.index_cast %select_n3A : i32 to index
      %get3A_130 = arith.index_cast %mul3A_125 : i32 to index
      %get3A_131 = tpu.vector_load %arg8[%get3A_129, %get3A_130] {strides = array<i32>} : memref<16x2048xf32, #tpu.memory_space<vmem>>, vector<1x16xf32>,
      %get3A_132 = vector.shape_cast %get3A_131 : vector<1x16xf32> to vector<16xf32>
      %add3A_133 = arith.addf %get3A_128, %get3A_132 : vector<16xf32>
      %swap3A = arith.index_cast %select_n3A : i32 to index
      %swap3A_134 = arith.index_cast %mul3A_125 : i32 to index
      %swap3A_135 = tpu.vector_load %arg7[%swap3A, %swap3A_134] {strides = array<i32>} : memref<16x2048xf32, #tpu.memory_space<vmem>>, vector<1x16xf32>,
      %swap3A_136 = vector.shape_cast %swap3A_135 : vector<1x16xf32> to vector<16xf32>
      %swap3A_137 = vector.shape_cast %add3A_133 : vector<16xf32> to vector<1x16xf32>
      tpu.vector_store %arg7[%swap3A, %swap3A_134], %swap3A_137 {strides = array<i32>} : memref<16x2048xf32, #tpu.memory_space<vmem>>, vector<1x16xf32>,
      %scan3A_138 = arith.constant 0 : i32
      scf.yield %scan3A_138 : i32
    }
    %scan3A_45 = arith.constant 2048 : i32
    "tpu.region"() ({
      %run_scoped3A = tpu.sem_alloc : memref<!tpu.dma_semaphore, #tpu.memory_space<semaphore_mem>>
      %dma_start3A_92 = arith.constant 0 : i32
      %dma_start3A_93 = tpu.memref_slice %arg4[%add3A_24, %dma_start3A_92] : memref<2048x2048xf32, #tpu.memory_space<hbm>> -> memref<16x2048xf32, #tpu.memory_space<hbm>>
      %dma_start3A_94 = arith.constant 0 : i32
      %dma_start3A_95 = tpu.memref_slice %arg4[%add3A_24, %dma_start3A_94] : memref<2048x2048xf32, #tpu.memory_space<hbm>> -> memref<16x2048xf32, #tpu.memory_space<hbm>>
      tpu.enqueue_dma source(%arg7 : memref<16x2048xf32, #tpu.memory_space<vmem>>) target(%dma_start3A_95 : memref<16x2048xf32, #tpu.memory_space<hbm>>) target_semaphore(%run_scoped3A : memref<!tpu.dma_semaphore, #tpu.memory_space<semaphore_mem>>)
      %dma_wait3A_96 = arith.constant 0 : i32
      %dma_wait3A_97 = tpu.memref_slice %arg4[%add3A_24, %dma_wait3A_96] : memref<2048x2048xf32, #tpu.memory_space<hbm>> -> memref<16x2048xf32, #tpu.memory_space<hbm>>
      %dma_wait3A_98 = arith.constant 0 : i32
      %dma_wait3A_99 = tpu.memref_slice %arg4[%add3A_24, %dma_wait3A_98] : memref<2048x2048xf32, #tpu.memory_space<hbm>> -> memref<16x2048xf32, #tpu.memory_space<hbm>>
      tpu.wait_dma2 semaphore(%run_scoped3A : memref<!tpu.dma_semaphore, #tpu.memory_space<semaphore_mem>>) src(%arg7 : memref<16x2048xf32, #tpu.memory_space<vmem>>) dst(%dma_wait3A_99 : memref<16x2048xf32, #tpu.memory_space<hbm>>)
      tpu.yield
    }) : () -> ()
    %add3A_46 = arith.constant 32 : i32
    %add3A_47 = arith.addi %mul3A_2, %add3A_46 : i32
    "tpu.region"() ({
      %run_scoped3A = tpu.sem_alloc : memref<!tpu.dma_semaphore, #tpu.memory_space<semaphore_mem>>
      %dma_start3A_92 = tpu.memref_slice %arg3[%add3A_47] : memref<4096xi32, #tpu.memory_space<hbm>> -> memref<16xi32, #tpu.memory_space<hbm>>
      %dma_start3A_93 = tpu.memref_slice %arg3[%add3A_47] : memref<4096xi32, #tpu.memory_space<hbm>> -> memref<16xi32, #tpu.memory_space<hbm>>
      tpu.enqueue_dma source(%dma_start3A_93 : memref<16xi32, #tpu.memory_space<hbm>>) target(%arg5 : memref<16xi32, #tpu.memory_space<vmem>>) target_semaphore(%run_scoped3A : memref<!tpu.dma_semaphore, #tpu.memory_space<semaphore_mem>>)
      %dma_wait3A_94 = tpu.memref_slice %arg3[%add3A_47] : memref<4096xi32, #tpu.memory_space<hbm>> -> memref<16xi32, #tpu.memory_space<hbm>>
      %dma_wait3A_95 = tpu.memref_slice %arg3[%add3A_47] : memref<4096xi32, #tpu.memory_space<hbm>> -> memref<16xi32, #tpu.memory_space<hbm>>
      tpu.wait_dma2 semaphore(%run_scoped3A : memref<!tpu.dma_semaphore, #tpu.memory_space<semaphore_mem>>) src(%dma_wait3A_95 : memref<16xi32, #tpu.memory_space<hbm>>) dst(%arg5 : memref<16xi32, #tpu.memory_space<vmem>>)
      tpu.yield
    }) : () -> ()
    %add3A_48 = arith.constant 2048 : i32
    %add3A_49 = arith.addi %add3A_48, %add3A_47 : i32
    "tpu.region"() ({
      %run_scoped3A = tpu.sem_alloc : memref<!tpu.dma_semaphore, #tpu.memory_space<semaphore_mem>>
      %dma_start3A_92 = tpu.memref_slice %arg3[%add3A_49] : memref<4096xi32, #tpu.memory_space<hbm>> -> memref<16xi32, #tpu.memory_space<hbm>>
      %dma_start3A_93 = tpu.memref_slice %arg3[%add3A_49] : memref<4096xi32, #tpu.memory_space<hbm>> -> memref<16xi32, #tpu.memory_space<hbm>>
      tpu.enqueue_dma source(%dma_start3A_93 : memref<16xi32, #tpu.memory_space<hbm>>) target(%arg6 : memref<16xi32, #tpu.memory_space<vmem>>) target_semaphore(%run_scoped3A : memref<!tpu.dma_semaphore, #tpu.memory_space<semaphore_mem>>)
      %dma_wait3A_94 = tpu.memref_slice %arg3[%add3A_49] : memref<4096xi32, #tpu.memory_space<hbm>> -> memref<16xi32, #tpu.memory_space<hbm>>
      %dma_wait3A_95 = tpu.memref_slice %arg3[%add3A_49] : memref<4096xi32, #tpu.memory_space<hbm>> -> memref<16xi32, #tpu.memory_space<hbm>>
      tpu.wait_dma2 semaphore(%run_scoped3A : memref<!tpu.dma_semaphore, #tpu.memory_space<semaphore_mem>>) src(%dma_wait3A_95 : memref<16xi32, #tpu.memory_space<hbm>>) dst(%arg6 : memref<16xi32, #tpu.memory_space<vmem>>)
      tpu.yield
    }) : () -> ()
    %dma_start3A_50 = arith.constant 0 : i32
    %dma_start3A_51 = arith.constant 0 : i32
    %dma_start3A_52 = tpu.memref_slice %arg2[%dma_start3A_50, %dma_start3A_51] : memref<8192x2048xf32, #tpu.memory_space<hbm>> -> memref<8192x2048xf32, #tpu.memory_space<hbm>>
    tpu.enqueue_indirect_dma source(%dma_start3A_52 : memref<8192x2048xf32, #tpu.memory_space<hbm>>) target(%arg7 : memref<16x2048xf32, #tpu.memory_space<vmem>>) offsets(%arg5 : memref<16xi32, #tpu.memory_space<vmem>>) semaphore(%arg9 : memref<!tpu.dma_semaphore, #tpu.memory_space<semaphore_mem>>)
    %dma_start3A_53 = arith.constant 0 : i32
    %dma_start3A_54 = arith.constant 0 : i32
    %dma_start3A_55 = tpu.memref_slice %arg2[%dma_start3A_53, %dma_start3A_54] : memref<8192x2048xf32, #tpu.memory_space<hbm>> -> memref<8192x2048xf32, #tpu.memory_space<hbm>>
    tpu.enqueue_indirect_dma source(%dma_start3A_55 : memref<8192x2048xf32, #tpu.memory_space<hbm>>) target(%arg8 : memref<16x2048xf32, #tpu.memory_space<vmem>>) offsets(%arg6 : memref<16xi32, #tpu.memory_space<vmem>>) semaphore(%arg10 : memref<!tpu.dma_semaphore, #tpu.memory_space<semaphore_mem>>)
    %dma_wait3A_56 = arith.constant 0 : i32
    %dma_wait3A_57 = arith.constant 0 : i32
    %dma_wait3A_58 = tpu.memref_slice %arg2[%dma_wait3A_56, %dma_wait3A_57] : memref<8192x2048xf32, #tpu.memory_space<hbm>> -> memref<8192x2048xf32, #tpu.memory_space<hbm>>
    tpu.wait_indirect_dma semaphore(%arg9 : memref<!tpu.dma_semaphore, #tpu.memory_space<semaphore_mem>>) src(%dma_wait3A_58 : memref<8192x2048xf32, #tpu.memory_space<hbm>>) dst(%arg7 : memref<16x2048xf32, #tpu.memory_space<vmem>>)
    %dma_wait3A_59 = arith.constant 0 : i32
    %dma_wait3A_60 = arith.constant 0 : i32
    %dma_wait3A_61 = tpu.memref_slice %arg2[%dma_wait3A_59, %dma_wait3A_60] : memref<8192x2048xf32, #tpu.memory_space<hbm>> -> memref<8192x2048xf32, #tpu.memory_space<hbm>>
    tpu.wait_indirect_dma semaphore(%arg10 : memref<!tpu.dma_semaphore, #tpu.memory_space<semaphore_mem>>) src(%dma_wait3A_61 : memref<8192x2048xf32, #tpu.memory_space<hbm>>) dst(%arg8 : memref<16x2048xf32, #tpu.memory_space<vmem>>)
    %scan3A_62 = arith.constant 0 : i32
    %scan3A_63 = arith.constant 0 : i32
    %scan3A_64 = arith.constant 2048 : i32
    %scan3A_65 = arith.addi %scan3A_63, %scan3A_64 : i32
    %scan3A_66 = arith.constant 1 : i32
    %scan3A_67 = scf.for %scan3A_92 = %scan3A_63 to %scan3A_65 step %scan3A_66 iter_args(%scan3A_93 = %scan3A_62) -> (i32)  : i32 {
      %jit3A = arith.constant 128 : i32
      %div3A = arith.divsi %scan3A_92, %jit3A : i32
      %sign3A = arith.constant 0 : i32
      %sign3A_94 = arith.cmpi sgt, %scan3A_92, %sign3A : i32
      %sign3A_95 = arith.extui %sign3A_94 : i1 to i32
      %sign3A_96 = arith.constant 0 : i32
      %sign3A_97 = arith.cmpi slt, %scan3A_92, %sign3A_96 : i32
      %sign3A_98 = arith.extui %sign3A_97 : i1 to i32
      %sign3A_99 = arith.subi %sign3A_95, %sign3A_98 : i32
      %sign3A_100 = arith.constant 0 : i32
      %sign3A_101 = arith.cmpi sgt, %jit3A, %sign3A_100 : i32
      %sign3A_102 = arith.extui %sign3A_101 : i1 to i32
      %sign3A_103 = arith.constant 0 : i32
      %sign3A_104 = arith.cmpi slt, %jit3A, %sign3A_103 : i32
      %sign3A_105 = arith.extui %sign3A_104 : i1 to i32
      %sign3A_106 = arith.subi %sign3A_102, %sign3A_105 : i32
      %ne3A = arith.cmpi ne, %sign3A_99, %sign3A_106 : i32
      %rem3A = arith.remsi %scan3A_92, %jit3A : i32
      %ne3A_107 = arith.constant 0 : i32
      %ne3A_108 = arith.cmpi ne, %rem3A, %ne3A_107 : i32
      %and3A = arith.andi %ne3A, %ne3A_108 : i1
      %sub3A = arith.constant 1 : i32
      %sub3A_109 = arith.subi %div3A, %sub3A : i32
      %select_n3A = arith.select %and3A, %sub3A_109, %div3A : i32
      %jit3A_110 = arith.constant 128 : i32
      %eq3A = arith.constant 0 : i32
      %eq3A_111 = arith.cmpi eq, %jit3A_110, %eq3A : i32
      %jit3A_112 = arith.constant 1 : i32
      %select_n3A_113 = arith.select %eq3A_111, %jit3A_112, %jit3A_110 : i32
      %rem3A_114 = arith.remsi %scan3A_92, %select_n3A_113 : i32
      %ne3A_115 = arith.constant 0 : i32
      %ne3A_116 = arith.cmpi ne, %rem3A_114, %ne3A_115 : i32
      %lt3A = arith.constant 0 : i32
      %lt3A_117 = arith.cmpi slt, %rem3A_114, %lt3A : i32
      %lt3A_118 = arith.constant 0 : i32
      %lt3A_119 = arith.cmpi slt, %select_n3A_113, %lt3A_118 : i32
      %ne3A_120 = arith.xori %lt3A_117, %lt3A_119 : i1
      %and3A_121 = arith.andi %ne3A_120, %ne3A_116 : i1
      %add3A_122 = arith.addi %rem3A_114, %select_n3A_113 : i32
      %select_n3A_123 = arith.select %and3A_121, %add3A_122, %rem3A_114 : i32
      %mul3A_124 = arith.constant 16 : i32
      %mul3A_125 = arith.muli %select_n3A_123, %mul3A_124 : i32
      %get3A = arith.index_cast %select_n3A : i32 to index
      %get3A_126 = arith.index_cast %mul3A_125 : i32 to index
      %get3A_127 = tpu.vector_load %arg7[%get3A, %get3A_126] {strides = array<i32>} : memref<16x2048xf32, #tpu.memory_space<vmem>>, vector<1x16xf32>,
      %get3A_128 = vector.shape_cast %get3A_127 : vector<1x16xf32> to vector<16xf32>
      %get3A_129 = arith.index_cast %select_n3A : i32 to index
      %get3A_130 = arith.index_cast %mul3A_125 : i32 to index
      %get3A_131 = tpu.vector_load %arg8[%get3A_129, %get3A_130] {strides = array<i32>} : memref<16x2048xf32, #tpu.memory_space<vmem>>, vector<1x16xf32>,
      %get3A_132 = vector.shape_cast %get3A_131 : vector<1x16xf32> to vector<16xf32>
      %add3A_133 = arith.addf %get3A_128, %get3A_132 : vector<16xf32>
      %swap3A = arith.index_cast %select_n3A : i32 to index
      %swap3A_134 = arith.index_cast %mul3A_125 : i32 to index
      %swap3A_135 = tpu.vector_load %arg7[%swap3A, %swap3A_134] {strides = array<i32>} : memref<16x2048xf32, #tpu.memory_space<vmem>>, vector<1x16xf32>,
      %swap3A_136 = vector.shape_cast %swap3A_135 : vector<1x16xf32> to vector<16xf32>
      %swap3A_137 = vector.shape_cast %add3A_133 : vector<16xf32> to vector<1x16xf32>
      tpu.vector_store %arg7[%swap3A, %swap3A_134], %swap3A_137 {strides = array<i32>} : memref<16x2048xf32, #tpu.memory_space<vmem>>, vector<1x16xf32>,
      %scan3A_138 = arith.constant 0 : i32
      scf.yield %scan3A_138 : i32
    }
    %scan3A_68 = arith.constant 2048 : i32
    "tpu.region"() ({
      %run_scoped3A = tpu.sem_alloc : memref<!tpu.dma_semaphore, #tpu.memory_space<semaphore_mem>>
      %dma_start3A_92 = arith.constant 0 : i32
      %dma_start3A_93 = tpu.memref_slice %arg4[%add3A_47, %dma_start3A_92] : memref<2048x2048xf32, #tpu.memory_space<hbm>> -> memref<16x2048xf32, #tpu.memory_space<hbm>>
      %dma_start3A_94 = arith.constant 0 : i32
      %dma_start3A_95 = tpu.memref_slice %arg4[%add3A_47, %dma_start3A_94] : memref<2048x2048xf32, #tpu.memory_space<hbm>> -> memref<16x2048xf32, #tpu.memory_space<hbm>>
      tpu.enqueue_dma source(%arg7 : memref<16x2048xf32, #tpu.memory_space<vmem>>) target(%dma_start3A_95 : memref<16x2048xf32, #tpu.memory_space<hbm>>) target_semaphore(%run_scoped3A : memref<!tpu.dma_semaphore, #tpu.memory_space<semaphore_mem>>)
      %dma_wait3A_96 = arith.constant 0 : i32
      %dma_wait3A_97 = tpu.memref_slice %arg4[%add3A_47, %dma_wait3A_96] : memref<2048x2048xf32, #tpu.memory_space<hbm>> -> memref<16x2048xf32, #tpu.memory_space<hbm>>
      %dma_wait3A_98 = arith.constant 0 : i32
      %dma_wait3A_99 = tpu.memref_slice %arg4[%add3A_47, %dma_wait3A_98] : memref<2048x2048xf32, #tpu.memory_space<hbm>> -> memref<16x2048xf32, #tpu.memory_space<hbm>>
      tpu.wait_dma2 semaphore(%run_scoped3A : memref<!tpu.dma_semaphore, #tpu.memory_space<semaphore_mem>>) src(%arg7 : memref<16x2048xf32, #tpu.memory_space<vmem>>) dst(%dma_wait3A_99 : memref<16x2048xf32, #tpu.memory_space<hbm>>)
      tpu.yield
    }) : () -> ()
    %add3A_69 = arith.constant 48 : i32
    %add3A_70 = arith.addi %mul3A_2, %add3A_69 : i32
    "tpu.region"() ({
      %run_scoped3A = tpu.sem_alloc : memref<!tpu.dma_semaphore, #tpu.memory_space<semaphore_mem>>
      %dma_start3A_92 = tpu.memref_slice %arg3[%add3A_70] : memref<4096xi32, #tpu.memory_space<hbm>> -> memref<16xi32, #tpu.memory_space<hbm>>
      %dma_start3A_93 = tpu.memref_slice %arg3[%add3A_70] : memref<4096xi32, #tpu.memory_space<hbm>> -> memref<16xi32, #tpu.memory_space<hbm>>
      tpu.enqueue_dma source(%dma_start3A_93 : memref<16xi32, #tpu.memory_space<hbm>>) target(%arg5 : memref<16xi32, #tpu.memory_space<vmem>>) target_semaphore(%run_scoped3A : memref<!tpu.dma_semaphore, #tpu.memory_space<semaphore_mem>>)
      %dma_wait3A_94 = tpu.memref_slice %arg3[%add3A_70] : memref<4096xi32, #tpu.memory_space<hbm>> -> memref<16xi32, #tpu.memory_space<hbm>>
      %dma_wait3A_95 = tpu.memref_slice %arg3[%add3A_70] : memref<4096xi32, #tpu.memory_space<hbm>> -> memref<16xi32, #tpu.memory_space<hbm>>
      tpu.wait_dma2 semaphore(%run_scoped3A : memref<!tpu.dma_semaphore, #tpu.memory_space<semaphore_mem>>) src(%dma_wait3A_95 : memref<16xi32, #tpu.memory_space<hbm>>) dst(%arg5 : memref<16xi32, #tpu.memory_space<vmem>>)
      tpu.yield
    }) : () -> ()
    %add3A_71 = arith.constant 2048 : i32
    %add3A_72 = arith.addi %add3A_71, %add3A_70 : i32
    "tpu.region"() ({
      %run_scoped3A = tpu.sem_alloc : memref<!tpu.dma_semaphore, #tpu.memory_space<semaphore_mem>>
      %dma_start3A_92 = tpu.memref_slice %arg3[%add3A_72] : memref<4096xi32, #tpu.memory_space<hbm>> -> memref<16xi32, #tpu.memory_space<hbm>>
      %dma_start3A_93 = tpu.memref_slice %arg3[%add3A_72] : memref<4096xi32, #tpu.memory_space<hbm>> -> memref<16xi32, #tpu.memory_space<hbm>>
      tpu.enqueue_dma source(%dma_start3A_93 : memref<16xi32, #tpu.memory_space<hbm>>) target(%arg6 : memref<16xi32, #tpu.memory_space<vmem>>) target_semaphore(%run_scoped3A : memref<!tpu.dma_semaphore, #tpu.memory_space<semaphore_mem>>)
      %dma_wait3A_94 = tpu.memref_slice %arg3[%add3A_72] : memref<4096xi32, #tpu.memory_space<hbm>> -> memref<16xi32, #tpu.memory_space<hbm>>
      %dma_wait3A_95 = tpu.memref_slice %arg3[%add3A_72] : memref<4096xi32, #tpu.memory_space<hbm>> -> memref<16xi32, #tpu.memory_space<hbm>>
      tpu.wait_dma2 semaphore(%run_scoped3A : memref<!tpu.dma_semaphore, #tpu.memory_space<semaphore_mem>>) src(%dma_wait3A_95 : memref<16xi32, #tpu.memory_space<hbm>>) dst(%arg6 : memref<16xi32, #tpu.memory_space<vmem>>)
      tpu.yield
    }) : () -> ()
    %dma_start3A_73 = arith.constant 0 : i32
    %dma_start3A_74 = arith.constant 0 : i32
    %dma_start3A_75 = tpu.memref_slice %arg2[%dma_start3A_73, %dma_start3A_74] : memref<8192x2048xf32, #tpu.memory_space<hbm>> -> memref<8192x2048xf32, #tpu.memory_space<hbm>>
    tpu.enqueue_indirect_dma source(%dma_start3A_75 : memref<8192x2048xf32, #tpu.memory_space<hbm>>) target(%arg7 : memref<16x2048xf32, #tpu.memory_space<vmem>>) offsets(%arg5 : memref<16xi32, #tpu.memory_space<vmem>>) semaphore(%arg9 : memref<!tpu.dma_semaphore, #tpu.memory_space<semaphore_mem>>)
    %dma_start3A_76 = arith.constant 0 : i32
    %dma_start3A_77 = arith.constant 0 : i32
    %dma_start3A_78 = tpu.memref_slice %arg2[%dma_start3A_76, %dma_start3A_77] : memref<8192x2048xf32, #tpu.memory_space<hbm>> -> memref<8192x2048xf32, #tpu.memory_space<hbm>>
    tpu.enqueue_indirect_dma source(%dma_start3A_78 : memref<8192x2048xf32, #tpu.memory_space<hbm>>) target(%arg8 : memref<16x2048xf32, #tpu.memory_space<vmem>>) offsets(%arg6 : memref<16xi32, #tpu.memory_space<vmem>>) semaphore(%arg10 : memref<!tpu.dma_semaphore, #tpu.memory_space<semaphore_mem>>)
    %dma_wait3A_79 = arith.constant 0 : i32
    %dma_wait3A_80 = arith.constant 0 : i32
    %dma_wait3A_81 = tpu.memref_slice %arg2[%dma_wait3A_79, %dma_wait3A_80] : memref<8192x2048xf32, #tpu.memory_space<hbm>> -> memref<8192x2048xf32, #tpu.memory_space<hbm>>
    tpu.wait_indirect_dma semaphore(%arg9 : memref<!tpu.dma_semaphore, #tpu.memory_space<semaphore_mem>>) src(%dma_wait3A_81 : memref<8192x2048xf32, #tpu.memory_space<hbm>>) dst(%arg7 : memref<16x2048xf32, #tpu.memory_space<vmem>>)
    %dma_wait3A_82 = arith.constant 0 : i32
    %dma_wait3A_83 = arith.constant 0 : i32
    %dma_wait3A_84 = tpu.memref_slice %arg2[%dma_wait3A_82, %dma_wait3A_83] : memref<8192x2048xf32, #tpu.memory_space<hbm>> -> memref<8192x2048xf32, #tpu.memory_space<hbm>>
    tpu.wait_indirect_dma semaphore(%arg10 : memref<!tpu.dma_semaphore, #tpu.memory_space<semaphore_mem>>) src(%dma_wait3A_84 : memref<8192x2048xf32, #tpu.memory_space<hbm>>) dst(%arg8 : memref<16x2048xf32, #tpu.memory_space<vmem>>)
    %scan3A_85 = arith.constant 0 : i32
    %scan3A_86 = arith.constant 0 : i32
    %scan3A_87 = arith.constant 2048 : i32
    %scan3A_88 = arith.addi %scan3A_86, %scan3A_87 : i32
    %scan3A_89 = arith.constant 1 : i32
    %scan3A_90 = scf.for %scan3A_92 = %scan3A_86 to %scan3A_88 step %scan3A_89 iter_args(%scan3A_93 = %scan3A_85) -> (i32)  : i32 {
      %jit3A = arith.constant 128 : i32
      %div3A = arith.divsi %scan3A_92, %jit3A : i32
      %sign3A = arith.constant 0 : i32
      %sign3A_94 = arith.cmpi sgt, %scan3A_92, %sign3A : i32
      %sign3A_95 = arith.extui %sign3A_94 : i1 to i32
      %sign3A_96 = arith.constant 0 : i32
      %sign3A_97 = arith.cmpi slt, %scan3A_92, %sign3A_96 : i32
      %sign3A_98 = arith.extui %sign3A_97 : i1 to i32
      %sign3A_99 = arith.subi %sign3A_95, %sign3A_98 : i32
      %sign3A_100 = arith.constant 0 : i32
      %sign3A_101 = arith.cmpi sgt, %jit3A, %sign3A_100 : i32
      %sign3A_102 = arith.extui %sign3A_101 : i1 to i32
      %sign3A_103 = arith.constant 0 : i32
      %sign3A_104 = arith.cmpi slt, %jit3A, %sign3A_103 : i32
      %sign3A_105 = arith.extui %sign3A_104 : i1 to i32
      %sign3A_106 = arith.subi %sign3A_102, %sign3A_105 : i32
      %ne3A = arith.cmpi ne, %sign3A_99, %sign3A_106 : i32
      %rem3A = arith.remsi %scan3A_92, %jit3A : i32
      %ne3A_107 = arith.constant 0 : i32
      %ne3A_108 = arith.cmpi ne, %rem3A, %ne3A_107 : i32
      %and3A = arith.andi %ne3A, %ne3A_108 : i1
      %sub3A = arith.constant 1 : i32
      %sub3A_109 = arith.subi %div3A, %sub3A : i32
      %select_n3A = arith.select %and3A, %sub3A_109, %div3A : i32
      %jit3A_110 = arith.constant 128 : i32
      %eq3A = arith.constant 0 : i32
      %eq3A_111 = arith.cmpi eq, %jit3A_110, %eq3A : i32
      %jit3A_112 = arith.constant 1 : i32
      %select_n3A_113 = arith.select %eq3A_111, %jit3A_112, %jit3A_110 : i32
      %rem3A_114 = arith.remsi %scan3A_92, %select_n3A_113 : i32
      %ne3A_115 = arith.constant 0 : i32
      %ne3A_116 = arith.cmpi ne, %rem3A_114, %ne3A_115 : i32
      %lt3A = arith.constant 0 : i32
      %lt3A_117 = arith.cmpi slt, %rem3A_114, %lt3A : i32
      %lt3A_118 = arith.constant 0 : i32
      %lt3A_119 = arith.cmpi slt, %select_n3A_113, %lt3A_118 : i32
      %ne3A_120 = arith.xori %lt3A_117, %lt3A_119 : i1
      %and3A_121 = arith.andi %ne3A_120, %ne3A_116 : i1
      %add3A_122 = arith.addi %rem3A_114, %select_n3A_113 : i32
      %select_n3A_123 = arith.select %and3A_121, %add3A_122, %rem3A_114 : i32
      %mul3A_124 = arith.constant 16 : i32
      %mul3A_125 = arith.muli %select_n3A_123, %mul3A_124 : i32
      %get3A = arith.index_cast %select_n3A : i32 to index
      %get3A_126 = arith.index_cast %mul3A_125 : i32 to index
      %get3A_127 = tpu.vector_load %arg7[%get3A, %get3A_126] {strides = array<i32>} : memref<16x2048xf32, #tpu.memory_space<vmem>>, vector<1x16xf32>,
      %get3A_128 = vector.shape_cast %get3A_127 : vector<1x16xf32> to vector<16xf32>
      %get3A_129 = arith.index_cast %select_n3A : i32 to index
      %get3A_130 = arith.index_cast %mul3A_125 : i32 to index
      %get3A_131 = tpu.vector_load %arg8[%get3A_129, %get3A_130] {strides = array<i32>} : memref<16x2048xf32, #tpu.memory_space<vmem>>, vector<1x16xf32>,
      %get3A_132 = vector.shape_cast %get3A_131 : vector<1x16xf32> to vector<16xf32>
      %add3A_133 = arith.addf %get3A_128, %get3A_132 : vector<16xf32>
      %swap3A = arith.index_cast %select_n3A : i32 to index
      %swap3A_134 = arith.index_cast %mul3A_125 : i32 to index
      %swap3A_135 = tpu.vector_load %arg7[%swap3A, %swap3A_134] {strides = array<i32>} : memref<16x2048xf32, #tpu.memory_space<vmem>>, vector<1x16xf32>,
      %swap3A_136 = vector.shape_cast %swap3A_135 : vector<1x16xf32> to vector<16xf32>
      %swap3A_137 = vector.shape_cast %add3A_133 : vector<16xf32> to vector<1x16xf32>
      tpu.vector_store %arg7[%swap3A, %swap3A_134], %swap3A_137 {strides = array<i32>} : memref<16x2048xf32, #tpu.memory_space<vmem>>, vector<1x16xf32>,
      %scan3A_138 = arith.constant 0 : i32
      scf.yield %scan3A_138 : i32
    }
    %scan3A_91 = arith.constant 2048 : i32
    "tpu.region"() ({
      %run_scoped3A = tpu.sem_alloc : memref<!tpu.dma_semaphore, #tpu.memory_space<semaphore_mem>>
      %dma_start3A_92 = arith.constant 0 : i32
      %dma_start3A_93 = tpu.memref_slice %arg4[%add3A_70, %dma_start3A_92] : memref<2048x2048xf32, #tpu.memory_space<hbm>> -> memref<16x2048xf32, #tpu.memory_space<hbm>>
      %dma_start3A_94 = arith.constant 0 : i32
      %dma_start3A_95 = tpu.memref_slice %arg4[%add3A_70, %dma_start3A_94] : memref<2048x2048xf32, #tpu.memory_space<hbm>> -> memref<16x2048xf32, #tpu.memory_space<hbm>>
      tpu.enqueue_dma source(%arg7 : memref<16x2048xf32, #tpu.memory_space<vmem>>) target(%dma_start3A_95 : memref<16x2048xf32, #tpu.memory_space<hbm>>) target_semaphore(%run_scoped3A : memref<!tpu.dma_semaphore, #tpu.memory_space<semaphore_mem>>)
      %dma_wait3A_96 = arith.constant 0 : i32
      %dma_wait3A_97 = tpu.memref_slice %arg4[%add3A_70, %dma_wait3A_96] : memref<2048x2048xf32, #tpu.memory_space<hbm>> -> memref<16x2048xf32, #tpu.memory_space<hbm>>
      %dma_wait3A_98 = arith.constant 0 : i32
      %dma_wait3A_99 = tpu.memref_slice %arg4[%add3A_70, %dma_wait3A_98] : memref<2048x2048xf32, #tpu.memory_space<hbm>> -> memref<16x2048xf32, #tpu.memory_space<hbm>>
      tpu.wait_dma2 semaphore(%run_scoped3A : memref<!tpu.dma_semaphore, #tpu.memory_space<semaphore_mem>>) src(%arg7 : memref<16x2048xf32, #tpu.memory_space<vmem>>) dst(%dma_wait3A_99 : memref<16x2048xf32, #tpu.memory_space<hbm>>)
      tpu.yield
    }) : () -> ()
    return
  }
}

module attributes {stable_mosaic.version = 14 : i64} {
  func.func @_glu_body(%arg0: i32, %arg1: memref<16xi32, #tpu.memory_space<smem>>, %arg2: memref<1xi32, #tpu.memory_space<smem>>, %arg3: memref<512x2048xbf16, #tpu.memory_space<vmem>>, %arg4: memref<1x2048x1408xbf16, #tpu.memory_space<vmem>>, %arg5: memref<1x2048x1408xbf16, #tpu.memory_space<vmem>>, %arg6: memref<1x1408x2048xbf16, #tpu.memory_space<vmem>>, %arg7: memref<1x1x512xf32, #tpu.memory_space<vmem>>, %arg8: memref<512x2048xf32, #tpu.memory_space<vmem>>) attributes {dimension_semantics = [#tpu.dimension_semantics<arbitrary>], iteration_bounds = array<i64: 16>, scalar_prefetch = 2 : i64, scratch_operands = 0 : i64, tpu.core_type = #tpu.core_type<tc>, window_params = [{transform_indices = @transform_0, window_bounds = array<i64: 512, 2048>}, {transform_indices = @transform_1, window_bounds = array<i64: 1, 2048, 1408>}, {transform_indices = @transform_2, window_bounds = array<i64: 1, 2048, 1408>}, {transform_indices = @transform_3, window_bounds = array<i64: 1, 1408, 2048>}, {transform_indices = @transform_4, window_bounds = array<i64: 1, 1, 512>}, {transform_indices = @transform_5, window_bounds = array<i64: 512, 2048>}]} {
    %get3A = arith.constant 0 : index
    %get3A_0 = memref.load %arg2[%get3A] : memref<1xi32, #tpu.memory_space<smem>>
    %lt3A = arith.cmpi slt, %arg0, %get3A_0 : i32
    %convert_element_type3A = arith.extui %lt3A : i1 to i32
    %cond3A = arith.constant 0 : i32
    %cond3A_1 = arith.cmpi ne, %convert_element_type3A, %cond3A : i32
    scf.if %cond3A_1 {
      %get3A_2 = arith.constant 0 : index
      %get3A_3 = arith.constant 0 : index
      %get3A_4 = vector.load %arg3[%get3A_2, %get3A_3] : memref<512x2048xbf16, #tpu.memory_space<vmem>>, vector<512x2048xbf16>
      %get3A_5 = arith.constant 0 : index
      %get3A_6 = arith.constant 0 : index
      %get3A_7 = arith.constant 0 : index
      %get3A_8 = vector.load %arg7[%get3A_5, %get3A_6, %get3A_7] : memref<1x1x512xf32, #tpu.memory_space<vmem>>, vector<1x1x512xf32>
      %get3A_9 = vector.shape_cast %get3A_8 : vector<1x1x512xf32> to vector<512xf32>
      %broadcast_in_dim3A = vector.shape_cast %get3A_9 : vector<512xf32> to vector<512x1xf32>
      %get3A_10 = arith.constant 0 : index
      %get3A_11 = arith.constant 0 : index
      %get3A_12 = arith.constant 0 : index
      %get3A_13 = vector.load %arg4[%get3A_10, %get3A_11, %get3A_12] : memref<1x2048x1408xbf16, #tpu.memory_space<vmem>>, vector<1x2048x640xbf16>
      %get3A_14 = vector.shape_cast %get3A_13 : vector<1x2048x640xbf16> to vector<2048x640xbf16>
      %get3A_15 = arith.constant 0 : index
      %get3A_16 = arith.constant 0 : index
      %get3A_17 = arith.constant 0 : index
      %get3A_18 = vector.load %arg5[%get3A_15, %get3A_16, %get3A_17] : memref<1x2048x1408xbf16, #tpu.memory_space<vmem>>, vector<1x2048x640xbf16>
      %get3A_19 = vector.shape_cast %get3A_18 : vector<1x2048x640xbf16> to vector<2048x640xbf16>
      %dot_general3A = arith.constant dense<0.000000e+00> : vector<512x640xf32>
      %dot_general3A_20 = tpu.matmul %get3A_4, %get3A_14, %dot_general3A {dimension_numbers = #tpu.dot_dimension_numbers<[1], [0], [0], [1], [0, 0, 1, 1], [], []>, transpose_lhs_hint = false} : vector<512x2048xbf16>, vector<2048x640xbf16>, vector<512x640xf32> -> vector<512x640xf32>
      %dot_general3A_21 = arith.constant dense<0.000000e+00> : vector<512x640xf32>
      %dot_general3A_22 = tpu.matmul %get3A_4, %get3A_19, %dot_general3A_21 {dimension_numbers = #tpu.dot_dimension_numbers<[1], [0], [0], [1], [0, 0, 1, 1], [], []>, transpose_lhs_hint = false} : vector<512x2048xbf16>, vector<2048x640xbf16>, vector<512x640xf32> -> vector<512x640xf32>
      %logistic3A = arith.negf %dot_general3A_20 : vector<512x640xf32>
      %logistic3A_23 = math.exp %logistic3A : vector<512x640xf32>
      %logistic3A_24 = arith.constant 1.000000e+00 : f32
      %logistic3A_25 = vector.broadcast %logistic3A_24 : f32 to vector<512x640xf32>
      %logistic3A_26 = arith.addf %logistic3A_25, %logistic3A_23 : vector<512x640xf32>
      %logistic3A_27 = arith.divf %logistic3A_25, %logistic3A_26 : vector<512x640xf32>
      %mul3A = arith.mulf %dot_general3A_20, %logistic3A_27 : vector<512x640xf32>
      %mul3A_28 = arith.mulf %mul3A, %dot_general3A_22 : vector<512x640xf32>
      %mul3A_29 = vector.broadcast %broadcast_in_dim3A : vector<512x1xf32> to vector<512x640xf32>
      %mul3A_30 = arith.mulf %mul3A_28, %mul3A_29 : vector<512x640xf32>
      %convert_element_type3A_31 = arith.truncf %mul3A_30 : vector<512x640xf32> to vector<512x640xbf16>
      %get3A_32 = arith.constant 0 : index
      %get3A_33 = arith.constant 0 : index
      %get3A_34 = arith.constant 0 : index
      %get3A_35 = vector.load %arg6[%get3A_32, %get3A_33, %get3A_34] : memref<1x1408x2048xbf16, #tpu.memory_space<vmem>>, vector<1x640x2048xbf16>
      %get3A_36 = vector.shape_cast %get3A_35 : vector<1x640x2048xbf16> to vector<640x2048xbf16>
      %dot_general3A_37 = arith.constant dense<0.000000e+00> : vector<512x2048xf32>
      %dot_general3A_38 = tpu.matmul %convert_element_type3A_31, %get3A_36, %dot_general3A_37 {dimension_numbers = #tpu.dot_dimension_numbers<[1], [0], [0], [1], [0, 0, 1, 1], [], []>, transpose_lhs_hint = false} : vector<512x640xbf16>, vector<640x2048xbf16>, vector<512x2048xf32> -> vector<512x2048xf32>
      %get3A_39 = arith.constant 0 : index
      %get3A_40 = arith.constant 0 : index
      %get3A_41 = arith.constant 640 : index
      %get3A_42 = vector.load %arg4[%get3A_39, %get3A_40, %get3A_41] : memref<1x2048x1408xbf16, #tpu.memory_space<vmem>>, vector<1x2048x768xbf16>
      %get3A_43 = vector.shape_cast %get3A_42 : vector<1x2048x768xbf16> to vector<2048x768xbf16>
      %get3A_44 = arith.constant 0 : index
      %get3A_45 = arith.constant 0 : index
      %get3A_46 = arith.constant 640 : index
      %get3A_47 = vector.load %arg5[%get3A_44, %get3A_45, %get3A_46] : memref<1x2048x1408xbf16, #tpu.memory_space<vmem>>, vector<1x2048x768xbf16>
      %get3A_48 = vector.shape_cast %get3A_47 : vector<1x2048x768xbf16> to vector<2048x768xbf16>
      %dot_general3A_49 = arith.constant dense<0.000000e+00> : vector<512x768xf32>
      %dot_general3A_50 = tpu.matmul %get3A_4, %get3A_43, %dot_general3A_49 {dimension_numbers = #tpu.dot_dimension_numbers<[1], [0], [0], [1], [0, 0, 1, 1], [], []>, transpose_lhs_hint = false} : vector<512x2048xbf16>, vector<2048x768xbf16>, vector<512x768xf32> -> vector<512x768xf32>
      %dot_general3A_51 = arith.constant dense<0.000000e+00> : vector<512x768xf32>
      %dot_general3A_52 = tpu.matmul %get3A_4, %get3A_48, %dot_general3A_51 {dimension_numbers = #tpu.dot_dimension_numbers<[1], [0], [0], [1], [0, 0, 1, 1], [], []>, transpose_lhs_hint = false} : vector<512x2048xbf16>, vector<2048x768xbf16>, vector<512x768xf32> -> vector<512x768xf32>
      %logistic3A_53 = arith.negf %dot_general3A_50 : vector<512x768xf32>
      %logistic3A_54 = math.exp %logistic3A_53 : vector<512x768xf32>
      %logistic3A_55 = arith.constant 1.000000e+00 : f32
      %logistic3A_56 = vector.broadcast %logistic3A_55 : f32 to vector<512x768xf32>
      %logistic3A_57 = arith.addf %logistic3A_56, %logistic3A_54 : vector<512x768xf32>
      %logistic3A_58 = arith.divf %logistic3A_56, %logistic3A_57 : vector<512x768xf32>
      %mul3A_59 = arith.mulf %dot_general3A_50, %logistic3A_58 : vector<512x768xf32>
      %mul3A_60 = arith.mulf %mul3A_59, %dot_general3A_52 : vector<512x768xf32>
      %mul3A_61 = vector.broadcast %broadcast_in_dim3A : vector<512x1xf32> to vector<512x768xf32>
      %mul3A_62 = arith.mulf %mul3A_60, %mul3A_61 : vector<512x768xf32>
      %convert_element_type3A_63 = arith.truncf %mul3A_62 : vector<512x768xf32> to vector<512x768xbf16>
      %get3A_64 = arith.constant 0 : index
      %get3A_65 = arith.constant 640 : index
      %get3A_66 = arith.constant 0 : index
      %get3A_67 = vector.load %arg6[%get3A_64, %get3A_65, %get3A_66] : memref<1x1408x2048xbf16, #tpu.memory_space<vmem>>, vector<1x768x2048xbf16>
      %get3A_68 = vector.shape_cast %get3A_67 : vector<1x768x2048xbf16> to vector<768x2048xbf16>
      %dot_general3A_69 = arith.constant dense<0.000000e+00> : vector<512x2048xf32>
      %dot_general3A_70 = tpu.matmul %convert_element_type3A_63, %get3A_68, %dot_general3A_69 {dimension_numbers = #tpu.dot_dimension_numbers<[1], [0], [0], [1], [0, 0, 1, 1], [], []>, transpose_lhs_hint = false} : vector<512x768xbf16>, vector<768x2048xbf16>, vector<512x2048xf32> -> vector<512x2048xf32>
      %add3A = arith.addf %dot_general3A_38, %dot_general3A_70 : vector<512x2048xf32>
      %swap3A = arith.constant 0 : index
      %swap3A_71 = arith.constant 0 : index
      %swap3A_72 = vector.load %arg8[%swap3A, %swap3A_71] : memref<512x2048xf32, #tpu.memory_space<vmem>>, vector<512x2048xf32>
      tpu.vector_store %arg8[%swap3A, %swap3A_71], %add3A {strides = array<i32>} : memref<512x2048xf32, #tpu.memory_space<vmem>>, vector<512x2048xf32>,
    } else {
    }
    return
  }
  func.func @transform_0(%arg0: i32, %arg1: memref<16xi32, #tpu.memory_space<smem>>, %arg2: memref<1xi32, #tpu.memory_space<smem>>) -> (i32, i32) {
    %get3A = arith.constant 0 : index
    %get3A_0 = memref.load %arg2[%get3A] : memref<1xi32, #tpu.memory_space<smem>>
    %sub3A = arith.constant 1 : i32
    %sub3A_1 = arith.subi %get3A_0, %sub3A : i32
    %min3A = arith.minsi %arg0, %sub3A_1 : i32
    %c0_i32 = arith.constant 0 : i32
    %c0_i32_2 = arith.constant 0 : i32
    return %min3A, %c0_i32 : i32, i32
  }
  func.func @transform_1(%arg0: i32, %arg1: memref<16xi32, #tpu.memory_space<smem>>, %arg2: memref<1xi32, #tpu.memory_space<smem>>) -> (i32, i32, i32) {
    %get3A = arith.index_cast %arg0 : i32 to index
    %get3A_0 = memref.load %arg1[%get3A] : memref<16xi32, #tpu.memory_space<smem>>
    %c0_i32 = arith.constant 0 : i32
    %c0_i32_1 = arith.constant 0 : i32
    %c0_i32_2 = arith.constant 0 : i32
    return %get3A_0, %c0_i32, %c0_i32_1 : i32, i32, i32
  }
  func.func @transform_2(%arg0: i32, %arg1: memref<16xi32, #tpu.memory_space<smem>>, %arg2: memref<1xi32, #tpu.memory_space<smem>>) -> (i32, i32, i32) {
    %get3A = arith.index_cast %arg0 : i32 to index
    %get3A_0 = memref.load %arg1[%get3A] : memref<16xi32, #tpu.memory_space<smem>>
    %c0_i32 = arith.constant 0 : i32
    %c0_i32_1 = arith.constant 0 : i32
    %c0_i32_2 = arith.constant 0 : i32
    return %get3A_0, %c0_i32, %c0_i32_1 : i32, i32, i32
  }
  func.func @transform_3(%arg0: i32, %arg1: memref<16xi32, #tpu.memory_space<smem>>, %arg2: memref<1xi32, #tpu.memory_space<smem>>) -> (i32, i32, i32) {
    %get3A = arith.index_cast %arg0 : i32 to index
    %get3A_0 = memref.load %arg1[%get3A] : memref<16xi32, #tpu.memory_space<smem>>
    %c0_i32 = arith.constant 0 : i32
    %c0_i32_1 = arith.constant 0 : i32
    %c0_i32_2 = arith.constant 0 : i32
    return %get3A_0, %c0_i32, %c0_i32_1 : i32, i32, i32
  }
  func.func @transform_4(%arg0: i32, %arg1: memref<16xi32, #tpu.memory_space<smem>>, %arg2: memref<1xi32, #tpu.memory_space<smem>>) -> (i32, i32, i32) {
    %c0_i32 = arith.constant 0 : i32
    %c0_i32_0 = arith.constant 0 : i32
    %c0_i32_1 = arith.constant 0 : i32
    return %arg0, %c0_i32, %c0_i32_0 : i32, i32, i32
  }
  func.func @transform_5(%arg0: i32, %arg1: memref<16xi32, #tpu.memory_space<smem>>, %arg2: memref<1xi32, #tpu.memory_space<smem>>) -> (i32, i32) {
    %get3A = arith.constant 0 : index
    %get3A_0 = memref.load %arg2[%get3A] : memref<1xi32, #tpu.memory_space<smem>>
    %sub3A = arith.constant 1 : i32
    %sub3A_1 = arith.subi %get3A_0, %sub3A : i32
    %min3A = arith.minsi %arg0, %sub3A_1 : i32
    %c0_i32 = arith.constant 0 : i32
    %c0_i32_2 = arith.constant 0 : i32
    return %min3A, %c0_i32 : i32, i32
  }
}

</mosaic_0001>

<sc_bundles>
// kernel: gather_offload_async_start.1
scs
__scs_entry_jumppad:
0x0: {  	(pc) =	sbr.rel $0x88, $3  }
0x1: {  	(tag) =	ssettag $0x0;
	lr =	simm.s32 $0x1  }
0x2: {  	[smem:$0x3F9A] =	sst lr;
	_ =	strace $0xD0000000  }
0x3: {  	_ = 	snop  }
0x4: {  	_ = 	snop  }
0x5: {  	_ = 	snop  }
0x6: {  	_ = 	snop  }
0x7: {  	_ = 	snop  }
__scs_overlays_trampoline_lowered:
0x8: {  	[smem:$0x3FA9] =	sst s0  }
0x9: {  	[smem:$0x3FAA] =	sst s1  }
0xa: {  	[smem:$0x3FAB] =	sst s2  }
0xb: {  	[smem:$0x3FAC] =	sst s3  }
0xc: {  	[smem:$0x3FAD] =	sst s4  }
0xd: {  	[smem:$0x3FAE] =	sst s5  }
0xe: {  	[smem:$0x3FAF] =	sst s6  }
0xf: {  	[smem:$0x3FB0] =	sst s7  }
0x10: {  	[smem:$0x3FB1] =	sst s8  }
0x11: {  	[smem:$0x3FB2] =	sst s9;
	s0 =	simm.s32 @!p0 $0x0  }
0x12: {  	s1 =	sld [smem:$0x3F98];
	s0 =	simm.s32 @p0 $0x1  }
0x13: {  	[smem:$0x3FB3] =	sst s0;
	s0 =	simm.s32 @!p1 $0x0  }
0x14: {  	s2 =	sld [smem:$0x3F97];
	s0 =	simm.s32 @p1 $0x1  }
0x15: {  	[smem:$0x3FB4] =	sst s0;
	s0 =	simm.s32 @!p2 $0x0  }
0x16: {  	s3 =	sld [smem:$0x3FDB];
	s0 =	simm.s32 @p2 $0x1  }
0x17: {  	s4 =	simm.s32 $0x1BF5;
	[smem:$0x3FB6] =	sst s0  }
0x18: {  	s0 =	sld [smem:$0x3F99];
	_ =	swait.ge [sflag:s4], $0x0  }
0x19: {  	s7 =	sld [smem:$0x3F9A]  }
0x1a: {  	s8 =	sadd.s32 $0xFFFFE003, lr  }
0x1b: {  	s9 =	sadd.s32 $0xFFFFFEF7, lr;
	s5 =	simm.s32 $0xFFFFFFFF;
	p2 =	slt.u32 s8, $0xFFFFF086  }
0x1c: {  	p1 =	slt.u32 s9, $0xF7A;
	s5 =	simm.s32 @!p2 $0x0  }
0x1d: {  	s5 =	simm.s32 @p1 $0x1;
	p0 =	seq.s32 s7, s2  }
0x1e: {  	s7 =	smul.u32 @!p0 $0xF7A, s2;
	p2 =	seq.s32 @!p0 s5, $0x0  }
0x1f: {  	s9 =	smul.u32 $0xF7A, s1;
	s8 =	simm.s32 @!p0 $0x1BF5;
	p2 =	por !p2, p0  }
0x20: {  	[sflag:s8] =	ssyncset.s32 @!p0 $0xFFFFF086;
	s6 =	sadd.s32 @!p0 s3, s7;
	s7 =	simm.s32 @!p0 $0x108  }
0x21: {  	s3 =	sadd.s32 s3, s9;
	s6 =	sadd.s32 @!p0 $0x88, s6;
	s7 =	simm.s32 @p2 $0x1082  }
0x22: {  	[simem:s7], [sflag:s8] =	dma.local @!p0 [hbm:s6], $0xF7A  }
0x23: {  	s9 =	sor.u32 $0xD0000000, s2;
	s6 =	simm.s32 $0x108;
	_ =	swait.ge @!p0 [sflag:s8], $0x0  }
0x24: {  	s3 =	sadd.s32 $0x88, s3;
	s6 =	simm.s32 @!p1 $0x1082;
	[sflag:s4] =	ssyncset.s32 $0xFFFFF086  }
0x25: {  	[simem:s6], [sflag:s4] =	dma.local [hbm:s3], $0xF7A  }
0x26: {  	[smem:$0x3F9A] =	sst s1;
	(tag) =	ssettag s2;
	_ =	strace s9  }
0x27: {  	s1 =	sld [smem:$0x3FAA]  }
0x28: {  	s2 =	sld [smem:$0x3FAB]  }
0x29: {  	s4 =	sld [smem:$0x3FAD]  }
0x2a: {  	p0 =	seq.s32 s5, $0x0;
	s5 =	sld [smem:$0x3FAE]  }
0x2b: {  	s6 =	sld [smem:$0x3FAF]  }
0x2c: {  	s7 =	sld [smem:$0x3FB0]  }
0x2d: {  	s3 =	simm.s32 $0x108;
	s8 =	sld [smem:$0x3FB1]  }
0x2e: {  	s3 =	simm.s32 @!p0 $0x1082;
	s9 =	sld [smem:$0x3FB2]  }
0x2f: {  	lr =	sadd.s32 s0, s3;
	s0 =	sld [smem:$0x3FA9]  }
0x30: {  	s3 =	sld [smem:$0x3FAC]  }
0x31: {  	[smem:$0x3FB5] =	sst s10  }
0x32: {  	s10 =	sld [smem:$0x3FB3];
	_ =	sdelay $0x3  }
0x33: {  	p0 =	seq.s32 s10, $0x1;
	s10 =	sld [smem:$0x3FB5];
	_ =	sdelay $0x3  }
0x34: {  	[smem:$0x3FB5] =	sst s10  }
0x35: {  	s10 =	sld [smem:$0x3FB4];
	_ =	sdelay $0x3  }
0x36: {  	p1 =	seq.s32 s10, $0x1;
	s10 =	sld [smem:$0x3FB5];
	_ =	sdelay $0x3  }
0x37: {  	[smem:$0x3FB5] =	sst s10  }
0x38: {  	s10 =	sld [smem:$0x3FB6]  }
0x39: {  	_ = 	snop;
	(pc) =	sbr.ind lr, $3  }
0x3a: {  	_ = 	snop  }
0x3b: {  	_ = 	snop  }
0x3c: {  	p2 =	seq.s32 s10, $0x1;
	s10 =	sld [smem:$0x3FB5]  }
0x3d: {  	_ =	shalt  }
0x3e: {  	_ =	shalt  }
0x3f: {  	_ =	shalt  }
0x40: {  	_ =	shalt  }
0x41: {  	_ =	shalt  }
0x42: {  	_ =	shalt  }
0x43: {  	_ =	shalt  }
0x44: {  	_ =	shalt  }
0x45: {  	_ =	shalt  }
0x46: {  	_ =	shalt  }
0x47: {  	_ =	shalt  }
0x48: {  	_ =	shalt  }
0x49: {  	_ =	shalt  }
0x4a: {  	_ =	shalt  }
0x4b: {  	_ =	shalt  }
0x4c: {  	_ =	shalt  }
0x4d: {  	_ =	shalt  }
0x4e: {  	_ =	shalt  }
0x4f: {  	_ =	shalt  }
0x50: {  	_ =	shalt  }
0x51: {  	_ =	shalt  }
0x52: {  	_ =	shalt  }
0x53: {  	_ =	shalt  }
0x54: {  	_ =	shalt  }
0x55: {  	_ =	shalt  }
0x56: {  	_ =	shalt  }
0x57: {  	_ =	shalt  }
0x58: {  	_ =	shalt  }
0x59: {  	_ =	shalt  }
0x5a: {  	_ =	shalt  }
0x5b: {  	_ =	shalt  }
0x5c: {  	_ =	shalt  }
0x5d: {  	_ =	shalt  }
0x5e: {  	_ =	shalt  }
0x5f: {  	_ =	shalt  }
0x60: {  	_ =	shalt  }
0x61: {  	_ =	shalt  }
0x62: {  	_ =	shalt  }
0x63: {  	_ =	shalt  }
0x64: {  	_ =	shalt  }
0x65: {  	_ =	shalt  }
0x66: {  	_ =	shalt  }
0x67: {  	_ =	shalt  }
0x68: {  	_ =	shalt  }
0x69: {  	_ =	shalt  }
0x6a: {  	_ =	shalt  }
0x6b: {  	_ =	shalt  }
0x6c: {  	_ =	shalt  }
0x6d: {  	_ =	shalt  }
0x6e: {  	_ =	shalt  }
0x6f: {  	_ =	shalt  }
0x70: {  	_ =	shalt  }
0x71: {  	_ =	shalt  }
0x72: {  	_ =	shalt  }
0x73: {  	_ =	shalt  }
0x74: {  	_ =	shalt  }
0x75: {  	_ =	shalt  }
0x76: {  	_ =	shalt  }
0x77: {  	_ =	shalt  }
0x78: {  	_ =	shalt  }
0x79: {  	_ =	shalt  }
0x7a: {  	_ =	shalt  }
0x7b: {  	_ =	shalt  }
0x7c: {  	_ =	shalt  }
0x7d: {  	_ =	shalt  }
0x7e: {  	_ =	shalt  }
0x7f: {  	_ =	shalt  }
0x80: {  	_ =	shalt  }
0x81: {  	_ =	shalt  }
0x82: {  	_ =	shalt  }
0x83: {  	_ =	shalt  }
0x84: {  	_ =	shalt  }
0x85: {  	_ =	shalt  }
0x86: {  	_ =	shalt  }
0x87: {  	_ =	shalt  }
.Lfunc_end0:
.L_simem_size_0:
called_computation.1_lowered:
.L_overlay_start_0:
0x88: {  	s2 =	sld [smem:$0x3FD9]  }
0x89: {  	s3 =	sld [smem:$0x3FFE];
	_ =	sdelay $0x1  }
0x8a: {  	s1 =	srdreg.scid  }
0x8b: {  	s0 =	sand.u32 $0x1, s1  }
0x8c: {  	s17 =	sshll.u32 s0, $0xA;
	s2 =	sadd.s32 s3, s2  }
0x8d: {  	s2 =	sadd.s32 s2, s17  }
0x8e: {  	[smem:$0x3FC1] =	sst s2  }
0x8f: {  	_ = 	snop  }
0x90: {  	s2 =	sld [smem:$0x3FC8];
	(tm) =	ssettm $0x1  }
0x91: {  	s18 =	sld [smem:$0x3FFB];
	_ =	sdelay $0x3  }
0x92: {  	_ =	strace s18  }
0x93: {  	s3 =	sld [smem:$0x3FFC];
	_ =	sdelay $0x3  }
0x94: {  	_ =	strace s3  }
0x95: {  	s3 =	sld [smem:$0x3FFD];
	_ =	sdelay $0x3  }
0x96: {  	_ =	strace s3  }
0x97: {  	_ =	strace $0x8FFFFFFF  }
0x98: {  	s19 =	sld [smem:$0x3FDB];
	_ =	sdelay $0x1  }
0x99: {  	s4 =	simm.s32 $_scs_section_size  }
0x9a: {  	s5 =	simm.s32 $_size__tile_overlayer_lowered;
	s6 =	simm.s32 $_tile_overlayer_lowered  }
0x9b: {  	s22 =	simm.s32 $0x1BFF;
	s21 =	sshll.u32 s6, $0x1;
	s3 =	sadd.s32 s4, s19  }
0x9c: {  	s7 =	simm.s32 $0x0;
	s20 =	sshll.u32 s5, $0x1;
	s5 =	sadd.s32 s21, s3  }
0x9d: {  	[timem:s7], [sflag:s22] =	dma.local [hbm:s5], s20  }
0x9e: {  	_ =	swait.ge [sflag:s22], s20  }
0x9f: {  	s4 =	ssub.s32 $0x0, s20;
	[sflag:s22] =	ssyncset.done $0x0  }
0xa0: {  	[sflag:s22] =	ssyncadd.s32 s4;
	_ =	sdelay $0x1  }
0xa1: {  	s23 =	simm.s32 $0x1B8B  }
0xa2: {  	_ =	swait.ge [sflag:s23], $0x1  }
0xa3: {  	[sflag:s23] =	ssyncset.done $0x0  }
0xa4: {  	s25 =	simm.s32 $0x1B8E;
	s24 =	sld [smem:$0x3FFE];
	[sflag:s23] =	ssyncadd.s32 $0xFFFFFFFF  }
0xa5: {  	s26 =	simm.s32 $execute0_lowered;
	[smem:$0x3FD2] =	sst s25  }
0xa6: {  	s5 =	sshll.u32 s26, $0x1;
	_ =	strace $0x80000046;
	[dreg:$0x1] =	wrdreg $0xFFFFFFFF  }
0xa7: {  	s28 =	simm.s32 $_size_execute0_lowered;
	s3 =	sadd.s32 s3, s5;
	[dreg:$0x0] =	wrdreg $0x0  }
0xa8: {  	s5 =	sshll.u32 s28, $0x1;
	[dreg:$0x2] =	wrdreg s3  }
0xa9: {  	[dreg:$0x3] =	wrdreg s5  }
0xaa: {  	[dreg:$0x4] =	wrdreg $0xC0  }
0xab: {  	_ =	task [dreg:s7], $0x5FFFF  }
0xac: {  	[dreg:$0x1] =	wrdreg $0xFFFFFFFF  }
0xad: {  	[dreg:$0x0] =	wrdreg $0x60  }
0xae: {  	[dreg:$0x2] =	wrdreg s2  }
0xaf: {  	[dreg:$0x3] =	wrdreg s24  }
0xb0: {  	[dreg:$0x4] =	wrdreg $0x9  }
0xb1: {  	_ =	task.clear_ibuf [dreg:s7], $0x5FFFF;
	_ =	strace $0x90000046  }
0xb2: {  	s29 =	simm.s32 $0x9;
	_ =	strace $0x80000048  }
0xb3: {  	_ =	swait.ge [sflag:s29], $0x1  }
0xb4: {  	[sflag:s29] =	ssyncadd.s32 $0xFFFFFFFF  }
0xb5: {  	_ =	strace $0x90000048  }
0xb6: {  	_ =	sfence  }
0xb7: {  	s30 =	sld [smem:$0x0];
	_ =	sdelay $0x2  }
0xb8: {  	s31 =	sshll.u32 s1, $0xD;
	s1 =	sshrl.u32 s1, $0x2  }
0xb9: {  	s3 =	sand.u32 $0x4000, s31;
	s1 =	sadd.s32 s1, s30  }
0xba: {  	s0 =	sor.u32 s3, s0;
	s1 =	sshll.u32 s1, $0x11  }
0xbb: {  	s0 =	sor.u32 s1, s0  }
0xbc: {  	s0 =	sadd.s32 $0x8F2B, s0  }
0xbd: {  	[sflag:s0] =	ssyncadd.remote.s32 $0x1  }
0xbe: {  	_ =	sfence.sel $0xFFFF  }
0xbf: {  	[dreg:$0x0] =	wrdreg $0xFFFFFFFF;
	(pc) =	sbr.abs _section_cstart, $3  }
0xc0: {  	[dreg:$0x1] =	wrdreg $0xFFFFFFFF  }
0xc1: {  	_ =	task.clear_ibuf [dreg:s7], $0x2FFFF;
	_ =	strace $0x9FFFFFFF  }
0xc2: {  	(tm) =	ssettm $0x7FFFFFFF  }
0xc3: {  	_ =	shalt  }
tec
execute0_lowered:
.L_overlay_start_1:
0x0: {  	(tag) =	ssettag $0x1  }
0x1: {  	s1 =	srdreg.scid;
	s2 =	rddreg [dreg:$0x0]  }
0x2: {  	s0 =	stileid.u32;
	s5 =	rddreg [dreg:$0x1];
	s6 =	simm.s32 $0x1  }
0x3: {  	s9 =	simm.s32 $0x1;
	s10 =	simm.s32 $0x3;
	s1 =	sshll.u32 s1, $0x6  }
0x4: {  	s13 =	simm.s32 $0x0;
	s3 =	sshll.u32 s0, $0x7;
	s4 =	sand.u32 $0x40, s1  }
0x5: {  	s12 =	simm.s32 $0x0;
	s1 =	rddreg [dreg:$0x2];
	s3 =	sor.u32 s3, s4  }
0x6: {  	_ =	strace $0x80000047;
	s4 =	sadd.s32 $0x600, s5;
	s8 =	ssub.s32 $0x1000, s3  }
.Ltmp0:
0x7: {  	s5 =	sadd.s32 $0x2C2200, s5;
	s7 =	sand.u32 $0x7C0, s8;
	(pc) =	sbr.rel .LBB2_1-.Ltmp0, $4  }
0x8: {  	[sflag:s6] =	ssyncpa.u1 $0x0;
	s11 =	smov.u32 s3;
	p0 =	sne.s32 s7, $0x0  }
0x9: {  	s8 =	sshrl.u32 s8, $0xB;
	s7 =	simm.s32 $0x2;
	s9 =	simm.s32 @!p0 $0x0  }
0xa: {  	[sflag:s7] =	ssyncpa.u1 $0x0;
	p0 =	por $0x0, $0x0;
	s8 =	sadd.s32 s9, s8  }
0xb: {  	vm0 =	vmmov $0xffff;
	[sflag:s10] =	ssyncpa.u1 $0x0;
	s10 =	simm.s32 $0x0;
	s9 =	sadd.s32 $0x1, s8  }
.LBB2_4:
0xc: {  	v1 =	vsel vm1, $0xFFFFFFFF, v1;
	v2 =	vand.u32 $0x7, v2  }
0xd: {  	v2 =	vsel vm1, $0xFFFFFFFF, v2;
	v3 =	vshll.u32 v1, $0x3  }
0xe: {  	v4 =	vand.u32 $0xFFFFC000, v2;
	v3 =	vand.u32 $0xFFFFFC00, v3;
	v2 =	vshll.u32 v2, $0x7  }
0xf: {  	v3 =	vadd.s32 v3, v4;
	v2 =	vand.u32 $0x380, v2  }
0x10: {  	v1 =	vand.u32 $0x7F, v1;
	v2 =	vor.u32 v2, v3  }
0x11: {  	v1 =	vor.u32 v1, v2;
	_ =	sdelay $0x1  }
0x12: {  	(ifvalue) =	ssetifvalue $0x7FFFFFFF;
	s15 =	sadd.s32 $0x10, s15  }
0x13: {  	[tilespmem:s15], [sflag:$0x1] =	stream.indirect_vreg.gather [hbm4b:s2+s10], $0x1, v0, vm0, $0x4038;
	[tilespmem:$0x100] =	vst v63  }
0x14: {  	(ifvalue) =	ssetifvalue $0x7FFFFFFF;
	s15 =	sadd.s32 $0x10, s15  }
0x15: {  	[tilespmem:s15], [sflag:$0x1] =	stream.indirect_vreg.gather [hbm4b:s2+s10], $0x1, v1, vm0, $0x4038;
	[tilespmem:$0x100] =	vst v63  }
0x16: {  	_ =	swait.ge [sflag:s6], $0x40  }
0x17: {  	s30 =	sshrl.u32 s13, $0x3;
	[sflag:s6] =	ssyncset.done $0x0  }
0x18: {  	s31 =	sand.u32 $0x7, s13;
	s15 =	sadd.s32 s5, s30;
	[sflag:s6] =	ssyncadd.s32 $0xFFFFFFC0  }
0x19: {  	[hbm4b:s15+s31] =	stream.linear.scatter [tilespmem:s14], [sflag:$0x3], $0x40, $0x38;
	[tilespmem:$0x100] =	vst v63  }
.LBB2_5:
0x1a: {  	s15 =	sadd.s32 $0x800, s11  }
0x1b: {  	p2 =	sgt.s32 s15, $0xFFF  }
0x1c: {  	s15 =	smov.u32 @p2 s3;
	p2 =	sne.s32 s12, s9  }
.Ltmp1:
0x1d: {  	p1 =	slt.u32 s12, $0x2;
	(pc) =	sbr.rel @!p2 .LBB2_6-.Ltmp1, $4  }
0x1e: {  	s14 =	simm.s32 @!p1 $0x3  }
0x1f: {  	s16 =	sadd.s32 $0x1, s12;
	_ =	swait.ge @!p1 [sflag:s14], $0x40  }
0x20: {  	s13 =	smov.u32 s11;
	p0 =	por !p0, !p0;
	[sflag:s14] =	ssyncset.done @!p1 $0x0  }
0x21: {  	s12 =	smov.u32 s16;
	s11 =	smov.u32 s15;
	[sflag:s14] =	ssyncadd.s32 @!p1 $0xFFFFFFC0  }
.LBB2_1:
0x22: {  	p1 =	sge.u32 s12, s8  }
0x23: {  	s14 =	sxor.u32 @!p1 $0xFFFFFFFF, s12  }
0x24: {  	s31 =	sadd.s32 $0xFFFFFFFF, s12;
	s15 =	sshrl.u32 @!p1 s11, $0x3;
	s14 =	sshll.u32 @!p1 s14, $0x6  }
0x25: {  	s16 =	sand.u32 @!p1 $0x7, s11;
	s15 =	sadd.s32 @!p1 s4, s15;
	s14 =	sand.u32 @!p1 $0x40, s14  }
0x26: {  	[tilespmem:s14], [sflag:$0x2] =	stream.linear.gather @!p1 [hbm4b:s15+s16], $0x40, $0x38;
	[tilespmem:$0x100] =	vst v63  }
0x27: {  	p1 =	sge.u32 s31, s8  }
.Ltmp2:
0x28: {  	_ = 	snop;
	(pc) =	sbr.rel @p1 .LBB2_5-.Ltmp2, $1  }
0x29: {  	_ =	sdelay $0x3  }
0x2a: {  	s14 =	simm.s32 $0x1  }
0x2b: {  	_ =	swait.ge [sflag:s7], $0x40;
	s14 =	simm.s32 @!p0 $0x0  }
0x2c: {  	[sflag:s7] =	ssyncset.done $0x0;
	s14 =	sshll.u32 s14, $0x6  }
0x2d: {  	[sflag:s7] =	ssyncadd.s32 $0xFFFFFFC0;
	(ifvalue) =	ssetifvalue $0x7FFFFFFF;
	v0 =	vld.msk [tilespmem:s14+$0x0 ss:$0x1], $0xffff;
	_ =	sdelay $0x3  }
0x2e: {  	s15 =	sadd.s32 $0x10, s14  }
0x2f: {  	v2 =	vld.msk [tilespmem:s15+$0x0 ss:$0x1], $0xffff;
	vm1 =	veq.s32 v0, $0x80000000;
	v1 =	vand.u32 $0x7FF, v0;
	v0 =	vshrl.u32 v0, $0xB  }
0x30: {  	v1 =	vsel vm1, $0xFFFFFFFF, v1;
	v0 =	vand.u32 $0x7, v0  }
0x31: {  	v0 =	vsel vm1, $0xFFFFFFFF, v0;
	v3 =	vshll.u32 v1, $0x3  }
0x32: {  	v4 =	vand.u32 $0xFFFFC000, v0;
	v3 =	vand.u32 $0xFFFFFC00, v3;
	v0 =	vshll.u32 v0, $0x7  }
0x33: {  	v3 =	vadd.s32 v3, v4;
	v0 =	vand.u32 $0x380, v0  }
0x34: {  	v1 =	vand.u32 $0x7F, v1;
	vm1 =	veq.s32 v2, $0x80000000;
	v0 =	vor.u32 v0, v3  }
0x35: {  	v0 =	vor.u32 v1, v0;
	v1 =	vand.u32 $0x7FF, v2;
	v2 =	vshrl.u32 v2, $0xB  }
0x36: {  	s17 =	sadd.s32 $0x10, s15;
	v1 =	vsel vm1, $0xFFFFFFFF, v1;
	v2 =	vand.u32 $0x7, v2  }
0x37: {  	v3 =	vld.msk [tilespmem:s17+$0x0 ss:$0x1], $0xffff;
	v2 =	vsel vm1, $0xFFFFFFFF, v2;
	v63 =	vshll.u32 v1, $0x3  }
0x38: {  	v5 =	vand.u32 $0xFFFFC000, v2;
	v4 =	vand.u32 $0xFFFFFC00, v63;
	v2 =	vshll.u32 v2, $0x7  }
0x39: {  	s31 =	sshll.u32 s12, $0x6;
	s15 =	sor.u32 $0x80, s14;
	(ifvalue) =	ssetifvalue $0x7FFFFFFF;
	v4 =	vadd.s32 v4, v5;
	v2 =	vand.u32 $0x380, v2  }
0x3a: {  	[tilespmem:s15], [sflag:$0x1] =	stream.indirect_vreg.gather [hbm4b:s2+s10], $0x1, v0, vm0, $0x4038;
	v0 =	vand.u32 $0x7F, v1;
	v1 =	vor.u32 v2, v4;
	[tilespmem:$0x100] =	vst v63  }
0x3b: {  	s14 =	sand.u32 $0x40, s31;
	v0 =	vor.u32 v0, v1  }
0x3c: {  	s16 =	simm.s32 $0x20;
	s14 =	sor.u32 $0x80, s14;
	s17 =	sadd.s32 $0x10, s17;
	vm1 =	veq.s32 v3, $0x80000000;
	v2 =	vshrl.u32 v3, $0xB;
	v1 =	vand.u32 $0x7FF, v3  }
.LBB2_3:
0x3d: {  	v3 =	vld.msk [tilespmem:s17+$0x0 ss:$0x1], $0xffff;
	s16 =	sadd.s32 $0x10, s16;
	v1 =	vsel vm1, $0xFFFFFFFF, v1;
	v2 =	vand.u32 $0x7, v2  }
0x3e: {  	p1 =	slt.u32 s16, $0x30;
	v2 =	vsel vm1, $0xFFFFFFFF, v2;
	v4 =	vshll.u32 v1, $0x3  }
.Ltmp3:
0x3f: {  	s15 =	sadd.s32 $0x10, s15;
	v5 =	vand.u32 $0xFFFFC000, v2;
	v4 =	vand.u32 $0xFFFFFC00, v4;
	v2 =	vshll.u32 v2, $0x7;
	(ifvalue) =	ssetifvalue $0x7FFFFFFF;
	(pc) =	sbr.rel @p1 .LBB2_3-.Ltmp3, $4  }
0x40: {  	v4 =	vadd.s32 v4, v5;
	v2 =	vand.u32 $0x380, v2;
	[tilespmem:s15], [sflag:$0x1] =	stream.indirect_vreg.gather [hbm4b:s2+s10], $0x1, v0, vm0, $0x4038;
	[tilespmem:$0x100] =	vst v63  }
0x41: {  	v0 =	vand.u32 $0x7F, v1;
	v1 =	vor.u32 v2, v4  }
0x42: {  	v0 =	vor.u32 v0, v1  }
0x43: {  	s17 =	sadd.s32 $0x10, s17;
	vm1 =	veq.s32 v3, $0x80000000;
	v1 =	vand.u32 $0x7FF, v3;
	v2 =	vshrl.u32 v3, $0xB  }
.Ltmp4:
0x44: {  	_ = 	snop;
	(pc) =	sbr.rel .LBB2_4-.Ltmp4, $1  }
0x45: {  	_ =	sdelay $0x3  }
.LBB2_6:
0x46: {  	_ =	sfence.sel $0x180000  }
0x47: {  	s2 =	simm.s32 $0x2;
	[bflag:$0x0] =	sbarrier.arrive $0xFFFF  }
0x48: {  	s30 =	simm.s32 $0x3;
	[sflag:s2] =	ssyncpa.u1 $0x1  }
0x49: {  	s31 =	simm.s32 $0x1;
	[sflag:s30] =	ssyncpa.u1 $0x1  }
0x4a: {  	[sflag:s31] =	ssyncpa.u1 $0x1  }
0x4b: {  	p0 =	sne.s32 s0, $0x0;
	_ =	strace $0x90000047  }
0x4c: {  	s0 =	sadd.s32 @!p0 $0x100000, s1;
	[bflag:$0x2] =	sbarrier.arrive $0xFFFF  }
0x4d: {  	[sflag:s0] =	ssyncadd.tile.s32 @!p0 $0x1;
	_ =	shalt  }
.Lfunc_end2:
_tile_overlayer_lowered:
.L_overlay_start_2:
0x4e: {  	(tag) =	ssettag $0x2  }
0x4f: {  	s0 =	rddreg [dreg:$0x0];
	s2 =	stileid.u32  }
0x50: {  	s1 =	rddreg [dreg:$0x1];
	p0 =	sne.s32 s2, $0x0  }
0x51: {  	s3 =	rddreg [dreg:$0x2];
	[bflag:$0x3] =	sbarrier.arrive $0xFFFF;
	s2 =	simm.s32 @!p0 $0x1C01  }
0x52: {  	[timem:s3], [sflag:s2] =	dma.local @!p0 [hbm:s0], s1  }
0x53: {  	s0 =	simm.s32 @!p0 $0x1  }
0x54: {  	_ =	swait.ge @!p0 [sflag:s0], s1  }
0x55: {  	s1 =	ssub.s32 @!p0 $0x0, s1;
	[sflag:s0] =	ssyncset.done @!p0 $0x0  }
0x56: {  	[sflag:s0] =	ssyncadd.s32 @!p0 s1  }
0x57: {  	[bflag:$0x3] =	sbarrier.arrive $0xFFFF  }
0x58: {  	_ =	shalt  }

// kernel: gather_offload_async_start
scs
__scs_entry_jumppad:
0x0: {  	(pc) =	sbr.rel $0x88, $3  }
0x1: {  	(tag) =	ssettag $0x0;
	lr =	simm.s32 $0x1  }
0x2: {  	[smem:$0x3F9A] =	sst lr;
	_ =	strace $0xD0000000  }
0x3: {  	_ = 	snop  }
0x4: {  	_ = 	snop  }
0x5: {  	_ = 	snop  }
0x6: {  	_ = 	snop  }
0x7: {  	_ = 	snop  }
__scs_overlays_trampoline_lowered:
0x8: {  	[smem:$0x3FA9] =	sst s0  }
0x9: {  	[smem:$0x3FAA] =	sst s1  }
0xa: {  	[smem:$0x3FAB] =	sst s2  }
0xb: {  	[smem:$0x3FAC] =	sst s3  }
0xc: {  	[smem:$0x3FAD] =	sst s4  }
0xd: {  	[smem:$0x3FAE] =	sst s5  }
0xe: {  	[smem:$0x3FAF] =	sst s6  }
0xf: {  	[smem:$0x3FB0] =	sst s7  }
0x10: {  	[smem:$0x3FB1] =	sst s8  }
0x11: {  	[smem:$0x3FB2] =	sst s9;
	s0 =	simm.s32 @!p0 $0x0  }
0x12: {  	s1 =	sld [smem:$0x3F98];
	s0 =	simm.s32 @p0 $0x1  }
0x13: {  	[smem:$0x3FB3] =	sst s0;
	s0 =	simm.s32 @!p1 $0x0  }
0x14: {  	s2 =	sld [smem:$0x3F97];
	s0 =	simm.s32 @p1 $0x1  }
0x15: {  	[smem:$0x3FB4] =	sst s0;
	s0 =	simm.s32 @!p2 $0x0  }
0x16: {  	s3 =	sld [smem:$0x3FDB];
	s0 =	simm.s32 @p2 $0x1  }
0x17: {  	s4 =	simm.s32 $0x1BF5;
	[smem:$0x3FB6] =	sst s0  }
0x18: {  	s0 =	sld [smem:$0x3F99];
	_ =	swait.ge [sflag:s4], $0x0  }
0x19: {  	s7 =	sld [smem:$0x3F9A]  }
0x1a: {  	s8 =	sadd.s32 $0xFFFFE003, lr  }
0x1b: {  	s9 =	sadd.s32 $0xFFFFFEF7, lr;
	s5 =	simm.s32 $0xFFFFFFFF;
	p2 =	slt.u32 s8, $0xFFFFF086  }
0x1c: {  	p1 =	slt.u32 s9, $0xF7A;
	s5 =	simm.s32 @!p2 $0x0  }
0x1d: {  	s5 =	simm.s32 @p1 $0x1;
	p0 =	seq.s32 s7, s2  }
0x1e: {  	s7 =	smul.u32 @!p0 $0xF7A, s2;
	p2 =	seq.s32 @!p0 s5, $0x0  }
0x1f: {  	s9 =	smul.u32 $0xF7A, s1;
	s8 =	simm.s32 @!p0 $0x1BF5;
	p2 =	por !p2, p0  }
0x20: {  	[sflag:s8] =	ssyncset.s32 @!p0 $0xFFFFF086;
	s6 =	sadd.s32 @!p0 s3, s7;
	s7 =	simm.s32 @!p0 $0x108  }
0x21: {  	s3 =	sadd.s32 s3, s9;
	s6 =	sadd.s32 @!p0 $0x88, s6;
	s7 =	simm.s32 @p2 $0x1082  }
0x22: {  	[simem:s7], [sflag:s8] =	dma.local @!p0 [hbm:s6], $0xF7A  }
0x23: {  	s9 =	sor.u32 $0xD0000000, s2;
	s6 =	simm.s32 $0x108;
	_ =	swait.ge @!p0 [sflag:s8], $0x0  }
0x24: {  	s3 =	sadd.s32 $0x88, s3;
	s6 =	simm.s32 @!p1 $0x1082;
	[sflag:s4] =	ssyncset.s32 $0xFFFFF086  }
0x25: {  	[simem:s6], [sflag:s4] =	dma.local [hbm:s3], $0xF7A  }
0x26: {  	[smem:$0x3F9A] =	sst s1;
	(tag) =	ssettag s2;
	_ =	strace s9  }
0x27: {  	s1 =	sld [smem:$0x3FAA]  }
0x28: {  	s2 =	sld [smem:$0x3FAB]  }
0x29: {  	s4 =	sld [smem:$0x3FAD]  }
0x2a: {  	p0 =	seq.s32 s5, $0x0;
	s5 =	sld [smem:$0x3FAE]  }
0x2b: {  	s6 =	sld [smem:$0x3FAF]  }
0x2c: {  	s7 =	sld [smem:$0x3FB0]  }
0x2d: {  	s3 =	simm.s32 $0x108;
	s8 =	sld [smem:$0x3FB1]  }
0x2e: {  	s3 =	simm.s32 @!p0 $0x1082;
	s9 =	sld [smem:$0x3FB2]  }
0x2f: {  	lr =	sadd.s32 s0, s3;
	s0 =	sld [smem:$0x3FA9]  }
0x30: {  	s3 =	sld [smem:$0x3FAC]  }
0x31: {  	[smem:$0x3FB5] =	sst s10  }
0x32: {  	s10 =	sld [smem:$0x3FB3];
	_ =	sdelay $0x3  }
0x33: {  	p0 =	seq.s32 s10, $0x1;
	s10 =	sld [smem:$0x3FB5];
	_ =	sdelay $0x3  }
0x34: {  	[smem:$0x3FB5] =	sst s10  }
0x35: {  	s10 =	sld [smem:$0x3FB4];
	_ =	sdelay $0x3  }
0x36: {  	p1 =	seq.s32 s10, $0x1;
	s10 =	sld [smem:$0x3FB5];
	_ =	sdelay $0x3  }
0x37: {  	[smem:$0x3FB5] =	sst s10  }
0x38: {  	s10 =	sld [smem:$0x3FB6]  }
0x39: {  	_ = 	snop;
	(pc) =	sbr.ind lr, $3  }
0x3a: {  	_ = 	snop  }
0x3b: {  	_ = 	snop  }
0x3c: {  	p2 =	seq.s32 s10, $0x1;
	s10 =	sld [smem:$0x3FB5]  }
0x3d: {  	_ =	shalt  }
0x3e: {  	_ =	shalt  }
0x3f: {  	_ =	shalt  }
0x40: {  	_ =	shalt  }
0x41: {  	_ =	shalt  }
0x42: {  	_ =	shalt  }
0x43: {  	_ =	shalt  }
0x44: {  	_ =	shalt  }
0x45: {  	_ =	shalt  }
0x46: {  	_ =	shalt  }
0x47: {  	_ =	shalt  }
0x48: {  	_ =	shalt  }
0x49: {  	_ =	shalt  }
0x4a: {  	_ =	shalt  }
0x4b: {  	_ =	shalt  }
0x4c: {  	_ =	shalt  }
0x4d: {  	_ =	shalt  }
0x4e: {  	_ =	shalt  }
0x4f: {  	_ =	shalt  }
0x50: {  	_ =	shalt  }
0x51: {  	_ =	shalt  }
0x52: {  	_ =	shalt  }
0x53: {  	_ =	shalt  }
0x54: {  	_ =	shalt  }
0x55: {  	_ =	shalt  }
0x56: {  	_ =	shalt  }
0x57: {  	_ =	shalt  }
0x58: {  	_ =	shalt  }
0x59: {  	_ =	shalt  }
0x5a: {  	_ =	shalt  }
0x5b: {  	_ =	shalt  }
0x5c: {  	_ =	shalt  }
0x5d: {  	_ =	shalt  }
0x5e: {  	_ =	shalt  }
0x5f: {  	_ =	shalt  }
0x60: {  	_ =	shalt  }
0x61: {  	_ =	shalt  }
0x62: {  	_ =	shalt  }
0x63: {  	_ =	shalt  }
0x64: {  	_ =	shalt  }
0x65: {  	_ =	shalt  }
0x66: {  	_ =	shalt  }
0x67: {  	_ =	shalt  }
0x68: {  	_ =	shalt  }
0x69: {  	_ =	shalt  }
0x6a: {  	_ =	shalt  }
0x6b: {  	_ =	shalt  }
0x6c: {  	_ =	shalt  }
0x6d: {  	_ =	shalt  }
0x6e: {  	_ =	shalt  }
0x6f: {  	_ =	shalt  }
0x70: {  	_ =	shalt  }
0x71: {  	_ =	shalt  }
0x72: {  	_ =	shalt  }
0x73: {  	_ =	shalt  }
0x74: {  	_ =	shalt  }
0x75: {  	_ =	shalt  }
0x76: {  	_ =	shalt  }
0x77: {  	_ =	shalt  }
0x78: {  	_ =	shalt  }
0x79: {  	_ =	shalt  }
0x7a: {  	_ =	shalt  }
0x7b: {  	_ =	shalt  }
0x7c: {  	_ =	shalt  }
0x7d: {  	_ =	shalt  }
0x7e: {  	_ =	shalt  }
0x7f: {  	_ =	shalt  }
0x80: {  	_ =	shalt  }
0x81: {  	_ =	shalt  }
0x82: {  	_ =	shalt  }
0x83: {  	_ =	shalt  }
0x84: {  	_ =	shalt  }
0x85: {  	_ =	shalt  }
0x86: {  	_ =	shalt  }
0x87: {  	_ =	shalt  }
.Lfunc_end0:
.L_simem_size_0:
called_computation_lowered:
.L_overlay_start_0:
0x88: {  	s2 =	sld [smem:$0x3FD9]  }
0x89: {  	s3 =	sld [smem:$0x3FFE];
	_ =	sdelay $0x1  }
0x8a: {  	s1 =	srdreg.scid  }
0x8b: {  	s0 =	sand.u32 $0x1, s1  }
0x8c: {  	s16 =	sshll.u32 s0, $0xA;
	s2 =	sadd.s32 s3, s2  }
0x8d: {  	s2 =	sadd.s32 s2, s16  }
0x8e: {  	[smem:$0x3FC1] =	sst s2  }
0x8f: {  	_ = 	snop  }
0x90: {  	(tm) =	ssettm $0x1  }
0x91: {  	s17 =	sld [smem:$0x3FFB];
	_ =	sdelay $0x3  }
0x92: {  	_ =	strace s17  }
0x93: {  	s2 =	sld [smem:$0x3FFC];
	_ =	sdelay $0x3  }
0x94: {  	_ =	strace s2  }
0x95: {  	s2 =	sld [smem:$0x3FFD];
	_ =	sdelay $0x3  }
0x96: {  	_ =	strace s2  }
0x97: {  	_ =	strace $0x8FFFFFFF  }
0x98: {  	s18 =	sld [smem:$0x3FDB];
	_ =	sdelay $0x1  }
0x99: {  	s19 =	simm.s32 $_scs_section_size  }
0x9a: {  	s4 =	simm.s32 $_size__tile_overlayer_lowered;
	s5 =	simm.s32 $_tile_overlayer_lowered  }
0x9b: {  	s22 =	simm.s32 $0x1BFF;
	s21 =	sshll.u32 s5, $0x1;
	s2 =	sadd.s32 s19, s18  }
0x9c: {  	s6 =	simm.s32 $0x0;
	s20 =	sshll.u32 s4, $0x1;
	s4 =	sadd.s32 s21, s2  }
0x9d: {  	[timem:s6], [sflag:s22] =	dma.local [hbm:s4], s20  }
0x9e: {  	_ =	swait.ge [sflag:s22], s20  }
0x9f: {  	s3 =	ssub.s32 $0x0, s20;
	[sflag:s22] =	ssyncset.done $0x0  }
0xa0: {  	[sflag:s22] =	ssyncadd.s32 s3;
	_ =	sdelay $0x1  }
0xa1: {  	s23 =	simm.s32 $0x1B8B  }
0xa2: {  	_ =	swait.ge [sflag:s23], $0x1  }
0xa3: {  	[sflag:s23] =	ssyncset.done $0x0  }
0xa4: {  	s25 =	simm.s32 $0x1B8E;
	s24 =	sld [smem:$0x3FFE];
	[sflag:s23] =	ssyncadd.s32 $0xFFFFFFFF  }
0xa5: {  	s26 =	simm.s32 $execute0_lowered;
	[smem:$0x3FD2] =	sst s25  }
0xa6: {  	s4 =	sshll.u32 s26, $0x1;
	_ =	strace $0x80000049;
	[dreg:$0x1] =	wrdreg $0xFFFFFFFF  }
0xa7: {  	s28 =	simm.s32 $_size_execute0_lowered;
	s2 =	sadd.s32 s2, s4;
	[dreg:$0x0] =	wrdreg $0x0  }
0xa8: {  	s4 =	sshll.u32 s28, $0x1;
	[dreg:$0x2] =	wrdreg s2  }
0xa9: {  	[dreg:$0x3] =	wrdreg s4  }
0xaa: {  	[dreg:$0x4] =	wrdreg $0xC0  }
0xab: {  	_ =	task [dreg:s6], $0x5FFFF  }
0xac: {  	[dreg:$0x1] =	wrdreg $0xFFFFFFFF  }
0xad: {  	[dreg:$0x0] =	wrdreg $0x60  }
0xae: {  	[dreg:$0x2] =	wrdreg s24  }
0xaf: {  	[dreg:$0x3] =	wrdreg $0x9  }
0xb0: {  	_ =	task.clear_ibuf [dreg:s6], $0x4FFFF;
	_ =	strace $0x90000049  }
0xb1: {  	s29 =	simm.s32 $0x9;
	_ =	strace $0x8000004B  }
0xb2: {  	_ =	swait.ge [sflag:s29], $0x1  }
0xb3: {  	[sflag:s29] =	ssyncadd.s32 $0xFFFFFFFF  }
0xb4: {  	_ =	strace $0x9000004B  }
0xb5: {  	_ =	sfence  }
0xb6: {  	s30 =	sld [smem:$0x0];
	_ =	sdelay $0x2  }
0xb7: {  	s31 =	sshll.u32 s1, $0xD;
	s1 =	sshrl.u32 s1, $0x2  }
0xb8: {  	s3 =	sand.u32 $0x4000, s31;
	s1 =	sadd.s32 s1, s30  }
0xb9: {  	s0 =	sor.u32 s3, s0;
	s1 =	sshll.u32 s1, $0x11  }
0xba: {  	s0 =	sor.u32 s1, s0  }
0xbb: {  	s0 =	sadd.s32 $0x8F2B, s0  }
0xbc: {  	[sflag:s0] =	ssyncadd.remote.s32 $0x1  }
0xbd: {  	_ =	sfence.sel $0xFFFF  }
0xbe: {  	[dreg:$0x0] =	wrdreg $0xFFFFFFFF;
	(pc) =	sbr.abs _section_cstart, $3  }
0xbf: {  	[dreg:$0x1] =	wrdreg $0xFFFFFFFF  }
0xc0: {  	_ =	task.clear_ibuf [dreg:s6], $0x2FFFF;
	_ =	strace $0x9FFFFFFF  }
0xc1: {  	(tm) =	ssettm $0x7FFFFFFF  }
tec
execute0_lowered:
.L_overlay_start_1:
0x0: {  	(tag) =	ssettag $0x1  }
0x1: {  	s0 =	srdreg.scid;
	s5 =	rddreg [dreg:$0x0]  }
0x2: {  	s1 =	stileid.u32;
	s6 =	simm.s32 $0x1;
	s9 =	simm.s32 $0x1  }
0x3: {  	s10 =	simm.s32 $0x3;
	s13 =	simm.s32 $0x0;
	s2 =	sshll.u32 s0, $0x6  }
0x4: {  	s12 =	simm.s32 $0x0;
	s3 =	sshll.u32 s1, $0x7;
	s2 =	sand.u32 $0x40, s2  }
0x5: {  	s0 =	rddreg [dreg:$0x1];
	_ =	strace $0x8000004A;
	s2 =	sor.u32 s3, s2  }
0x6: {  	s4 =	sadd.s32 $0x800, s5;
	[sflag:s6] =	ssyncpa.u1 $0x0;
	s8 =	ssub.s32 $0x1000, s2  }
.Ltmp0:
0x7: {  	s3 =	sadd.s32 $0xA00, s5;
	s7 =	sand.u32 $0x7C0, s8;
	(pc) =	sbr.rel .LBB2_1-.Ltmp0, $4  }
0x8: {  	s5 =	sadd.s32 $0x2C2200, s5;
	s11 =	smov.u32 s2;
	p0 =	sne.s32 s7, $0x0  }
0x9: {  	s8 =	sshrl.u32 s8, $0xB;
	s7 =	simm.s32 $0x2;
	s9 =	simm.s32 @!p0 $0x0  }
0xa: {  	[sflag:s7] =	ssyncpa.u1 $0x0;
	p0 =	por $0x0, $0x0;
	s8 =	sadd.s32 s9, s8  }
0xb: {  	vm0 =	vmmov $0xffff;
	[sflag:s10] =	ssyncpa.u1 $0x0;
	s10 =	simm.s32 $0x0;
	s9 =	sadd.s32 $0x1, s8  }
.LBB2_4:
0xc: {  	v1 =	vsel vm1, $0xFFFFFFFF, v1;
	v2 =	vand.u32 $0x7, v2  }
0xd: {  	v2 =	vsel vm1, $0xFFFFFFFF, v2;
	v3 =	vshll.u32 v1, $0x3  }
0xe: {  	v4 =	vand.u32 $0xFFFF8000, v2;
	v3 =	vand.u32 $0xFFFFFC00, v3;
	v2 =	vshll.u32 v2, $0x7  }
0xf: {  	v3 =	vadd.s32 v3, v4;
	v2 =	vand.u32 $0x380, v2  }
0x10: {  	v1 =	vand.u32 $0x7F, v1;
	v2 =	vor.u32 v2, v3  }
0x11: {  	v1 =	vor.u32 v1, v2;
	_ =	sdelay $0x1  }
0x12: {  	(ifvalue) =	ssetifvalue $0x7FFFFFFF;
	s15 =	sadd.s32 $0x10, s15  }
0x13: {  	[tilespmem:s15], [sflag:$0x1] =	stream.indirect_vreg.gather [hbm4b:s3+s10], $0x1, v0, vm0, $0x4038;
	[tilespmem:$0x100] =	vst v63  }
0x14: {  	(ifvalue) =	ssetifvalue $0x7FFFFFFF;
	s15 =	sadd.s32 $0x10, s15  }
0x15: {  	[tilespmem:s15], [sflag:$0x1] =	stream.indirect_vreg.gather [hbm4b:s3+s10], $0x1, v1, vm0, $0x4038;
	[tilespmem:$0x100] =	vst v63  }
0x16: {  	_ =	swait.ge [sflag:s6], $0x40  }
0x17: {  	s30 =	sshrl.u32 s13, $0x3;
	[sflag:s6] =	ssyncset.done $0x0  }
0x18: {  	s31 =	sand.u32 $0x7, s13;
	s15 =	sadd.s32 s5, s30;
	[sflag:s6] =	ssyncadd.s32 $0xFFFFFFC0  }
0x19: {  	[hbm4b:s15+s31] =	stream.linear.scatter [tilespmem:s14], [sflag:$0x3], $0x40, $0x38;
	[tilespmem:$0x100] =	vst v63  }
.LBB2_5:
0x1a: {  	s15 =	sadd.s32 $0x800, s11  }
0x1b: {  	p2 =	sgt.s32 s15, $0xFFF  }
0x1c: {  	s15 =	smov.u32 @p2 s2;
	p2 =	sne.s32 s12, s9  }
.Ltmp1:
0x1d: {  	p1 =	slt.u32 s12, $0x2;
	(pc) =	sbr.rel @!p2 .LBB2_6-.Ltmp1, $4  }
0x1e: {  	s14 =	simm.s32 @!p1 $0x3  }
0x1f: {  	s16 =	sadd.s32 $0x1, s12;
	_ =	swait.ge @!p1 [sflag:s14], $0x40  }
0x20: {  	s13 =	smov.u32 s11;
	p0 =	por !p0, !p0;
	[sflag:s14] =	ssyncset.done @!p1 $0x0  }
0x21: {  	s12 =	smov.u32 s16;
	s11 =	smov.u32 s15;
	[sflag:s14] =	ssyncadd.s32 @!p1 $0xFFFFFFC0  }
.LBB2_1:
0x22: {  	p1 =	sge.u32 s12, s8  }
0x23: {  	s14 =	sxor.u32 @!p1 $0xFFFFFFFF, s12  }
0x24: {  	s31 =	sadd.s32 $0xFFFFFFFF, s12;
	s15 =	sshrl.u32 @!p1 s11, $0x3;
	s14 =	sshll.u32 @!p1 s14, $0x6  }
0x25: {  	s16 =	sand.u32 @!p1 $0x7, s11;
	s15 =	sadd.s32 @!p1 s4, s15;
	s14 =	sand.u32 @!p1 $0x40, s14  }
0x26: {  	[tilespmem:s14], [sflag:$0x2] =	stream.linear.gather @!p1 [hbm4b:s15+s16], $0x40, $0x38;
	[tilespmem:$0x100] =	vst v63  }
0x27: {  	p1 =	sge.u32 s31, s8  }
.Ltmp2:
0x28: {  	_ = 	snop;
	(pc) =	sbr.rel @p1 .LBB2_5-.Ltmp2, $1  }
0x29: {  	_ =	sdelay $0x3  }
0x2a: {  	s14 =	simm.s32 $0x1  }
0x2b: {  	_ =	swait.ge [sflag:s7], $0x40;
	s14 =	simm.s32 @!p0 $0x0  }
0x2c: {  	[sflag:s7] =	ssyncset.done $0x0;
	s14 =	sshll.u32 s14, $0x6  }
0x2d: {  	[sflag:s7] =	ssyncadd.s32 $0xFFFFFFC0;
	(ifvalue) =	ssetifvalue $0x7FFFFFFF;
	v0 =	vld.msk [tilespmem:s14+$0x0 ss:$0x1], $0xffff;
	_ =	sdelay $0x3  }
0x2e: {  	s15 =	sadd.s32 $0x10, s14  }
0x2f: {  	v2 =	vld.msk [tilespmem:s15+$0x0 ss:$0x1], $0xffff;
	vm1 =	veq.s32 v0, $0x80000000;
	v1 =	vand.u32 $0xFFF, v0;
	v0 =	vshrl.u32 v0, $0xC  }
0x30: {  	v1 =	vsel vm1, $0xFFFFFFFF, v1;
	v0 =	vand.u32 $0x7, v0  }
0x31: {  	v0 =	vsel vm1, $0xFFFFFFFF, v0;
	v3 =	vshll.u32 v1, $0x3  }
0x32: {  	v4 =	vand.u32 $0xFFFF8000, v0;
	v3 =	vand.u32 $0xFFFFFC00, v3;
	v0 =	vshll.u32 v0, $0x7  }
0x33: {  	v3 =	vadd.s32 v3, v4;
	v0 =	vand.u32 $0x380, v0  }
0x34: {  	v1 =	vand.u32 $0x7F, v1;
	vm1 =	veq.s32 v2, $0x80000000;
	v0 =	vor.u32 v0, v3  }
0x35: {  	v0 =	vor.u32 v1, v0;
	v1 =	vand.u32 $0xFFF, v2;
	v2 =	vshrl.u32 v2, $0xC  }
0x36: {  	s17 =	sadd.s32 $0x10, s15;
	v1 =	vsel vm1, $0xFFFFFFFF, v1;
	v2 =	vand.u32 $0x7, v2  }
0x37: {  	v3 =	vld.msk [tilespmem:s17+$0x0 ss:$0x1], $0xffff;
	v2 =	vsel vm1, $0xFFFFFFFF, v2;
	v63 =	vshll.u32 v1, $0x3  }
0x38: {  	v5 =	vand.u32 $0xFFFF8000, v2;
	v4 =	vand.u32 $0xFFFFFC00, v63;
	v2 =	vshll.u32 v2, $0x7  }
0x39: {  	s31 =	sshll.u32 s12, $0x6;
	s15 =	sor.u32 $0x80, s14;
	(ifvalue) =	ssetifvalue $0x7FFFFFFF;
	v4 =	vadd.s32 v4, v5;
	v2 =	vand.u32 $0x380, v2  }
0x3a: {  	[tilespmem:s15], [sflag:$0x1] =	stream.indirect_vreg.gather [hbm4b:s3+s10], $0x1, v0, vm0, $0x4038;
	v0 =	vand.u32 $0x7F, v1;
	v1 =	vor.u32 v2, v4;
	[tilespmem:$0x100] =	vst v63  }
0x3b: {  	s14 =	sand.u32 $0x40, s31;
	v0 =	vor.u32 v0, v1  }
0x3c: {  	s16 =	simm.s32 $0x20;
	s14 =	sor.u32 $0x80, s14;
	s17 =	sadd.s32 $0x10, s17;
	vm1 =	veq.s32 v3, $0x80000000;
	v2 =	vshrl.u32 v3, $0xC;
	v1 =	vand.u32 $0xFFF, v3  }
.LBB2_3:
0x3d: {  	v3 =	vld.msk [tilespmem:s17+$0x0 ss:$0x1], $0xffff;
	s16 =	sadd.s32 $0x10, s16;
	v1 =	vsel vm1, $0xFFFFFFFF, v1;
	v2 =	vand.u32 $0x7, v2  }
0x3e: {  	p1 =	slt.u32 s16, $0x30;
	v2 =	vsel vm1, $0xFFFFFFFF, v2;
	v4 =	vshll.u32 v1, $0x3  }
.Ltmp3:
0x3f: {  	s15 =	sadd.s32 $0x10, s15;
	v5 =	vand.u32 $0xFFFF8000, v2;
	v4 =	vand.u32 $0xFFFFFC00, v4;
	v2 =	vshll.u32 v2, $0x7;
	(ifvalue) =	ssetifvalue $0x7FFFFFFF;
	(pc) =	sbr.rel @p1 .LBB2_3-.Ltmp3, $4  }
0x40: {  	v4 =	vadd.s32 v4, v5;
	v2 =	vand.u32 $0x380, v2;
	[tilespmem:s15], [sflag:$0x1] =	stream.indirect_vreg.gather [hbm4b:s3+s10], $0x1, v0, vm0, $0x4038;
	[tilespmem:$0x100] =	vst v63  }
0x41: {  	v0 =	vand.u32 $0x7F, v1;
	v1 =	vor.u32 v2, v4  }
0x42: {  	v0 =	vor.u32 v0, v1  }
0x43: {  	s17 =	sadd.s32 $0x10, s17;
	vm1 =	veq.s32 v3, $0x80000000;
	v1 =	vand.u32 $0xFFF, v3;
	v2 =	vshrl.u32 v3, $0xC  }
.Ltmp4:
0x44: {  	_ = 	snop;
	(pc) =	sbr.rel .LBB2_4-.Ltmp4, $1  }
0x45: {  	_ =	sdelay $0x3  }
.LBB2_6:
0x46: {  	_ =	sfence.sel $0x180000  }
0x47: {  	s2 =	simm.s32 $0x2;
	[bflag:$0x0] =	sbarrier.arrive $0xFFFF  }
0x48: {  	s30 =	simm.s32 $0x3;
	[sflag:s2] =	ssyncpa.u1 $0x1  }
0x49: {  	s31 =	simm.s32 $0x1;
	[sflag:s30] =	ssyncpa.u1 $0x1  }
0x4a: {  	[sflag:s31] =	ssyncpa.u1 $0x1  }
0x4b: {  	p0 =	sne.s32 s1, $0x0;
	_ =	strace $0x9000004A  }
0x4c: {  	s0 =	sadd.s32 @!p0 $0x100000, s0;
	[bflag:$0x2] =	sbarrier.arrive $0xFFFF  }
0x4d: {  	[sflag:s0] =	ssyncadd.tile.s32 @!p0 $0x1;
	_ =	shalt  }
.Lfunc_end2:
_tile_overlayer_lowered:
.L_overlay_start_2:
0x4e: {  	(tag) =	ssettag $0x2  }
0x4f: {  	s0 =	rddreg [dreg:$0x0];
	s2 =	stileid.u32  }
0x50: {  	s1 =	rddreg [dreg:$0x1];
	p0 =	sne.s32 s2, $0x0  }
0x51: {  	s3 =	rddreg [dreg:$0x2];
	[bflag:$0x3] =	sbarrier.arrive $0xFFFF;
	s2 =	simm.s32 @!p0 $0x1C01  }
0x52: {  	[timem:s3], [sflag:s2] =	dma.local @!p0 [hbm:s0], s1  }
0x53: {  	s0 =	simm.s32 @!p0 $0x1  }
0x54: {  	_ =	swait.ge @!p0 [sflag:s0], s1  }
0x55: {  	s1 =	ssub.s32 @!p0 $0x0, s1;
	[sflag:s0] =	ssyncset.done @!p0 $0x0  }
0x56: {  	[sflag:s0] =	ssyncadd.s32 @!p0 s1  }
0x57: {  	[bflag:$0x3] =	sbarrier.arrive $0xFFFF  }
0x58: {  	_ =	shalt  }

// kernel: kernel.4.cloned.1.call-start
scs
__scs_entry_jumppad:
0x0: {  	(pc) =	sbr.rel $0x88, $3  }
0x1: {  	(tag) =	ssettag $0x0;
	lr =	simm.s32 $0x1  }
0x2: {  	[smem:$0x3F9A] =	sst lr;
	_ =	strace $0xD0000000  }
0x3: {  	_ = 	snop  }
0x4: {  	_ = 	snop  }
0x5: {  	_ = 	snop  }
0x6: {  	_ = 	snop  }
0x7: {  	_ = 	snop  }
__scs_overlays_trampoline_lowered:
0x8: {  	[smem:$0x3FA9] =	sst s0  }
0x9: {  	[smem:$0x3FAA] =	sst s1  }
0xa: {  	[smem:$0x3FAB] =	sst s2  }
0xb: {  	[smem:$0x3FAC] =	sst s3  }
0xc: {  	[smem:$0x3FAD] =	sst s4  }
0xd: {  	[smem:$0x3FAE] =	sst s5  }
0xe: {  	[smem:$0x3FAF] =	sst s6  }
0xf: {  	[smem:$0x3FB0] =	sst s7  }
0x10: {  	[smem:$0x3FB1] =	sst s8  }
0x11: {  	[smem:$0x3FB2] =	sst s9;
	s0 =	simm.s32 @!p0 $0x0  }
0x12: {  	s1 =	sld [smem:$0x3F98];
	s0 =	simm.s32 @p0 $0x1  }
0x13: {  	[smem:$0x3FB3] =	sst s0;
	s0 =	simm.s32 @!p1 $0x0  }
0x14: {  	s2 =	sld [smem:$0x3F97];
	s0 =	simm.s32 @p1 $0x1  }
0x15: {  	[smem:$0x3FB4] =	sst s0;
	s0 =	simm.s32 @!p2 $0x0  }
0x16: {  	s3 =	sld [smem:$0x3FDB];
	s0 =	simm.s32 @p2 $0x1  }
0x17: {  	s4 =	simm.s32 $0x1BF5;
	[smem:$0x3FB6] =	sst s0  }
0x18: {  	s0 =	sld [smem:$0x3F99];
	_ =	swait.ge [sflag:s4], $0x0  }
0x19: {  	s7 =	sld [smem:$0x3F9A]  }
0x1a: {  	s8 =	sadd.s32 $0xFFFFE003, lr  }
0x1b: {  	s9 =	sadd.s32 $0xFFFFFEF7, lr;
	s5 =	simm.s32 $0xFFFFFFFF;
	p2 =	slt.u32 s8, $0xFFFFF086  }
0x1c: {  	p1 =	slt.u32 s9, $0xF7A;
	s5 =	simm.s32 @!p2 $0x0  }
0x1d: {  	s5 =	simm.s32 @p1 $0x1;
	p0 =	seq.s32 s7, s2  }
0x1e: {  	s7 =	smul.u32 @!p0 $0xF7A, s2;
	p2 =	seq.s32 @!p0 s5, $0x0  }
0x1f: {  	s9 =	smul.u32 $0xF7A, s1;
	s8 =	simm.s32 @!p0 $0x1BF5;
	p2 =	por !p2, p0  }
0x20: {  	[sflag:s8] =	ssyncset.s32 @!p0 $0xFFFFF086;
	s6 =	sadd.s32 @!p0 s3, s7;
	s7 =	simm.s32 @!p0 $0x108  }
0x21: {  	s3 =	sadd.s32 s3, s9;
	s6 =	sadd.s32 @!p0 $0x88, s6;
	s7 =	simm.s32 @p2 $0x1082  }
0x22: {  	[simem:s7], [sflag:s8] =	dma.local @!p0 [hbm:s6], $0xF7A  }
0x23: {  	s9 =	sor.u32 $0xD0000000, s2;
	s6 =	simm.s32 $0x108;
	_ =	swait.ge @!p0 [sflag:s8], $0x0  }
0x24: {  	s3 =	sadd.s32 $0x88, s3;
	s6 =	simm.s32 @!p1 $0x1082;
	[sflag:s4] =	ssyncset.s32 $0xFFFFF086  }
0x25: {  	[simem:s6], [sflag:s4] =	dma.local [hbm:s3], $0xF7A  }
0x26: {  	[smem:$0x3F9A] =	sst s1;
	(tag) =	ssettag s2;
	_ =	strace s9  }
0x27: {  	s1 =	sld [smem:$0x3FAA]  }
0x28: {  	s2 =	sld [smem:$0x3FAB]  }
0x29: {  	s4 =	sld [smem:$0x3FAD]  }
0x2a: {  	p0 =	seq.s32 s5, $0x0;
	s5 =	sld [smem:$0x3FAE]  }
0x2b: {  	s6 =	sld [smem:$0x3FAF]  }
0x2c: {  	s7 =	sld [smem:$0x3FB0]  }
0x2d: {  	s3 =	simm.s32 $0x108;
	s8 =	sld [smem:$0x3FB1]  }
0x2e: {  	s3 =	simm.s32 @!p0 $0x1082;
	s9 =	sld [smem:$0x3FB2]  }
0x2f: {  	lr =	sadd.s32 s0, s3;
	s0 =	sld [smem:$0x3FA9]  }
0x30: {  	s3 =	sld [smem:$0x3FAC]  }
0x31: {  	[smem:$0x3FB5] =	sst s10  }
0x32: {  	s10 =	sld [smem:$0x3FB3];
	_ =	sdelay $0x3  }
0x33: {  	p0 =	seq.s32 s10, $0x1;
	s10 =	sld [smem:$0x3FB5];
	_ =	sdelay $0x3  }
0x34: {  	[smem:$0x3FB5] =	sst s10  }
0x35: {  	s10 =	sld [smem:$0x3FB4];
	_ =	sdelay $0x3  }
0x36: {  	p1 =	seq.s32 s10, $0x1;
	s10 =	sld [smem:$0x3FB5];
	_ =	sdelay $0x3  }
0x37: {  	[smem:$0x3FB5] =	sst s10  }
0x38: {  	s10 =	sld [smem:$0x3FB6]  }
0x39: {  	_ = 	snop;
	(pc) =	sbr.ind lr, $3  }
0x3a: {  	_ = 	snop  }
0x3b: {  	_ = 	snop  }
0x3c: {  	p2 =	seq.s32 s10, $0x1;
	s10 =	sld [smem:$0x3FB5]  }
0x3d: {  	_ =	shalt  }
0x3e: {  	_ =	shalt  }
0x3f: {  	_ =	shalt  }
0x40: {  	_ =	shalt  }
0x41: {  	_ =	shalt  }
0x42: {  	_ =	shalt  }
0x43: {  	_ =	shalt  }
0x44: {  	_ =	shalt  }
0x45: {  	_ =	shalt  }
0x46: {  	_ =	shalt  }
0x47: {  	_ =	shalt  }
0x48: {  	_ =	shalt  }
0x49: {  	_ =	shalt  }
0x4a: {  	_ =	shalt  }
0x4b: {  	_ =	shalt  }
0x4c: {  	_ =	shalt  }
0x4d: {  	_ =	shalt  }
0x4e: {  	_ =	shalt  }
0x4f: {  	_ =	shalt  }
0x50: {  	_ =	shalt  }
0x51: {  	_ =	shalt  }
0x52: {  	_ =	shalt  }
0x53: {  	_ =	shalt  }
0x54: {  	_ =	shalt  }
0x55: {  	_ =	shalt  }
0x56: {  	_ =	shalt  }
0x57: {  	_ =	shalt  }
0x58: {  	_ =	shalt  }
0x59: {  	_ =	shalt  }
0x5a: {  	_ =	shalt  }
0x5b: {  	_ =	shalt  }
0x5c: {  	_ =	shalt  }
0x5d: {  	_ =	shalt  }
0x5e: {  	_ =	shalt  }
0x5f: {  	_ =	shalt  }
0x60: {  	_ =	shalt  }
0x61: {  	_ =	shalt  }
0x62: {  	_ =	shalt  }
0x63: {  	_ =	shalt  }
0x64: {  	_ =	shalt  }
0x65: {  	_ =	shalt  }
0x66: {  	_ =	shalt  }
0x67: {  	_ =	shalt  }
0x68: {  	_ =	shalt  }
0x69: {  	_ =	shalt  }
0x6a: {  	_ =	shalt  }
0x6b: {  	_ =	shalt  }
0x6c: {  	_ =	shalt  }
0x6d: {  	_ =	shalt  }
0x6e: {  	_ =	shalt  }
0x6f: {  	_ =	shalt  }
0x70: {  	_ =	shalt  }
0x71: {  	_ =	shalt  }
0x72: {  	_ =	shalt  }
0x73: {  	_ =	shalt  }
0x74: {  	_ =	shalt  }
0x75: {  	_ =	shalt  }
0x76: {  	_ =	shalt  }
0x77: {  	_ =	shalt  }
0x78: {  	_ =	shalt  }
0x79: {  	_ =	shalt  }
0x7a: {  	_ =	shalt  }
0x7b: {  	_ =	shalt  }
0x7c: {  	_ =	shalt  }
0x7d: {  	_ =	shalt  }
0x7e: {  	_ =	shalt  }
0x7f: {  	_ =	shalt  }
0x80: {  	_ =	shalt  }
0x81: {  	_ =	shalt  }
0x82: {  	_ =	shalt  }
0x83: {  	_ =	shalt  }
0x84: {  	_ =	shalt  }
0x85: {  	_ =	shalt  }
0x86: {  	_ =	shalt  }
0x87: {  	_ =	shalt  }
.Lfunc_end0:
.L_simem_size_0:
called_computation.2_lowered:
.L_overlay_start_0:
0x88: {  	s2 =	sld [smem:$0x3FD9]  }
0x89: {  	s3 =	sld [smem:$0x3FFE];
	_ =	sdelay $0x1  }
0x8a: {  	s1 =	srdreg.scid  }
0x8b: {  	s0 =	sand.u32 $0x1, s1  }
0x8c: {  	s17 =	sshll.u32 s0, $0xA;
	s2 =	sadd.s32 s3, s2  }
0x8d: {  	s2 =	sadd.s32 s2, s17  }
0x8e: {  	[smem:$0x3FC1] =	sst s2  }
0x8f: {  	_ = 	snop  }
0x90: {  	s2 =	sld [smem:$0x3FD0];
	(tm) =	ssettm $0x1  }
0x91: {  	s18 =	sld [smem:$0x3FFB];
	_ =	sdelay $0x3  }
0x92: {  	_ =	strace s18  }
0x93: {  	s3 =	sld [smem:$0x3FFC];
	_ =	sdelay $0x3  }
0x94: {  	_ =	strace s3  }
0x95: {  	s3 =	sld [smem:$0x3FFD];
	_ =	sdelay $0x3  }
0x96: {  	_ =	strace s3  }
0x97: {  	_ =	strace $0x8FFFFFFF  }
0x98: {  	s19 =	sld [smem:$0x3FDB];
	_ =	sdelay $0x1  }
0x99: {  	s4 =	simm.s32 $_scs_section_size  }
0x9a: {  	s5 =	simm.s32 $_size__tile_overlayer_lowered;
	s6 =	simm.s32 $_tile_overlayer_lowered  }
0x9b: {  	s22 =	simm.s32 $0x1BFF;
	s21 =	sshll.u32 s6, $0x1;
	s3 =	sadd.s32 s4, s19  }
0x9c: {  	s7 =	simm.s32 $0x0;
	s20 =	sshll.u32 s5, $0x1;
	s5 =	sadd.s32 s21, s3  }
0x9d: {  	[timem:s7], [sflag:s22] =	dma.local [hbm:s5], s20  }
0x9e: {  	_ =	swait.ge [sflag:s22], s20  }
0x9f: {  	s4 =	ssub.s32 $0x0, s20;
	[sflag:s22] =	ssyncset.done $0x0  }
0xa0: {  	[sflag:s22] =	ssyncadd.s32 s4;
	_ =	sdelay $0x1  }
0xa1: {  	s23 =	simm.s32 $0x1B8B  }
0xa2: {  	_ =	swait.ge [sflag:s23], $0x1  }
0xa3: {  	[sflag:s23] =	ssyncset.done $0x0  }
0xa4: {  	s25 =	simm.s32 $0x1B8E;
	s24 =	sld [smem:$0x3FFE];
	[sflag:s23] =	ssyncadd.s32 $0xFFFFFFFF  }
0xa5: {  	s26 =	simm.s32 $execute0_lowered;
	[smem:$0x3FD2] =	sst s25  }
0xa6: {  	s5 =	sshll.u32 s26, $0x1;
	_ =	strace $0x8000004C;
	[dreg:$0x1] =	wrdreg $0xFFFFFFFF  }
0xa7: {  	s28 =	simm.s32 $_size_execute0_lowered;
	s3 =	sadd.s32 s3, s5;
	[dreg:$0x0] =	wrdreg $0x0  }
0xa8: {  	s5 =	sshll.u32 s28, $0x1;
	[dreg:$0x2] =	wrdreg s3  }
0xa9: {  	[dreg:$0x3] =	wrdreg s5  }
0xaa: {  	[dreg:$0x4] =	wrdreg $0xC0  }
0xab: {  	_ =	task [dreg:s7], $0x5FFFF  }
0xac: {  	[dreg:$0x1] =	wrdreg $0xFFFFFFFF  }
0xad: {  	[dreg:$0x0] =	wrdreg $0x60  }
0xae: {  	[dreg:$0x2] =	wrdreg s24  }
0xaf: {  	[dreg:$0x3] =	wrdreg s2  }
0xb0: {  	[dreg:$0x4] =	wrdreg $0x9  }
0xb1: {  	_ =	task.clear_ibuf [dreg:s7], $0x5FFFF;
	_ =	strace $0x9000004C  }
0xb2: {  	s29 =	simm.s32 $0x9;
	_ =	strace $0x8000004E  }
0xb3: {  	_ =	swait.ge [sflag:s29], $0x1  }
0xb4: {  	[sflag:s29] =	ssyncadd.s32 $0xFFFFFFFF  }
0xb5: {  	_ =	strace $0x9000004E  }
0xb6: {  	_ =	sfence  }
0xb7: {  	s30 =	sld [smem:$0x0];
	_ =	sdelay $0x2  }
0xb8: {  	s31 =	sshll.u32 s1, $0xD;
	s1 =	sshrl.u32 s1, $0x2  }
0xb9: {  	s3 =	sand.u32 $0x4000, s31;
	s1 =	sadd.s32 s1, s30  }
0xba: {  	s0 =	sor.u32 s3, s0;
	s1 =	sshll.u32 s1, $0x11  }
0xbb: {  	s0 =	sor.u32 s1, s0  }
0xbc: {  	s0 =	sadd.s32 $0x8F2B, s0  }
0xbd: {  	[sflag:s0] =	ssyncadd.remote.s32 $0x1  }
0xbe: {  	_ =	sfence.sel $0xFFFF  }
0xbf: {  	[dreg:$0x0] =	wrdreg $0xFFFFFFFF;
	(pc) =	sbr.abs _section_cstart, $3  }
0xc0: {  	[dreg:$0x1] =	wrdreg $0xFFFFFFFF  }
0xc1: {  	_ =	task.clear_ibuf [dreg:s7], $0x2FFFF;
	_ =	strace $0x9FFFFFFF  }
0xc2: {  	(tm) =	ssettm $0x7FFFFFFF  }
0xc3: {  	_ =	shalt  }
tec
execute0_lowered:
.L_overlay_start_1:
0x0: {  	(tag) =	ssettag $0x1  }
0x1: {  	s0 =	rddreg [dreg:$0x0]  }
0x2: {  	s2 =	rddreg [dreg:$0x1];
	s1 =	simm.s32 $0x0;
	s4 =	srdreg.scid  }
0x3: {  	s6 =	stileid.u32;
	s28 =	simm.s32 $0xA900;
	s29 =	simm.s32 $0xB100  }
0x4: {  	s30 =	simm.s32 $0xB900;
	s31 =	simm.s32 $0xC100;
	[smem:$0x7FF] =	sst s1  }
0x5: {  	s3 =	sadd.s32 $0x522400, s0;
	s4 =	sand.u32 $0x1, s4;
	s8 =	sadd.s32 $0x2C2200, s0  }
0x6: {  	s6 =	sshll.u32 s6, $0x7;
	s10 =	sadd.s32 $0x522900, s0;
	s11 =	sadd.s32 $0x522A00, s0  }
0x7: {  	s12 =	sadd.s32 $0x522B00, s0;
	s5 =	ssub.s32 $0x2, s4;
	s4 =	sshll.u32 s4, $0x6  }
0x8: {  	_ =	strace $0x8000004D;
	s7 =	sshrl.u32 s5, $0x1;
	s13 =	sor.u32 s4, s6  }
0x9: {  	s4 =	sadd.s32 $0x522500, s0;
	s5 =	ssub.s32 s5, s7;
	s6 =	sshrl.u32 s13, $0x3  }
0xa: {  	s7 =	sadd.s32 $0x522700, s0;
	s14 =	sshll.u32 s13, $0x8;
	s15 =	sor.u32 $0x10, s13  }
0xb: {  	s18 =	sor.u32 $0x20, s13;
	s13 =	sor.u32 $0x30, s13;
	s16 =	sadd.s32 s8, s6  }
0xc: {  	s6 =	sadd.s32 $0x522600, s0;
	s26 =	sadd.s32 s2, s14;
	s14 =	sshrl.u32 s15, $0x3  }
0xd: {  	s17 =	sshll.u32 s15, $0x8;
	s20 =	sshrl.u32 s18, $0x3;
	s21 =	sshll.u32 s18, $0x8  }
0xe: {  	s23 =	sshrl.u32 s13, $0x3;
	s25 =	sshll.u32 s13, $0x8;
	[dreg:$0x5] =	wrdreg s26  }
0xf: {  	s13 =	simm.s32 $0xE100;
	s9 =	sadd.s32 $0x100, s16;
	[dreg:$0x3] =	wrdreg s16  }
0x10: {  	s15 =	simm.s32 $0xF100;
	s19 =	sadd.s32 $0x102, s16;
	[dreg:$0x4] =	wrdreg s9  }
0x11: {  	s18 =	simm.s32 $0x2;
	s22 =	sadd.s32 $0x104, s16;
	[dreg:$0x7] =	wrdreg s19  }
0x12: {  	s24 =	sadd.s32 $0x106, s16;
	s26 =	smax.u32 s5, $0x1;
	[dreg:$0xa] =	wrdreg s22  }
0x13: {  	s16 =	simm.s32 $0xF900;
	s9 =	sadd.s32 $0x522800, s0;
	[dreg:$0xd] =	wrdreg s24  }
0x14: {  	s0 =	sadd.s32 s8, s14;
	[dreg:$0xf] =	wrdreg s26;
	s24 =	simm.s32 $0x3  }
0x15: {  	s26 =	simm.s32 $0x100;
	[dreg:$0x6] =	wrdreg s0;
	s0 =	sadd.s32 s2, s17  }
0x16: {  	s14 =	simm.s32 $0xE900;
	[dreg:$0x8] =	wrdreg s0;
	s0 =	sadd.s32 s8, s20  }
0x17: {  	s19 =	simm.s32 $0x0;
	[dreg:$0x9] =	wrdreg s0;
	s0 =	sadd.s32 s2, s21  }
0x18: {  	v2 =	vlaneseq.u32;
	s17 =	simm.s32 $0x1;
	[dreg:$0xb] =	wrdreg s0;
	s0 =	sadd.s32 s8, s23  }
0x19: {  	vm0 =	vmmov $0xffff;
	v1 =	vshrl.u32 v2, $0x3;
	s8 =	simm.s32 $0xD900;
	[dreg:$0xc] =	wrdreg s0;
	s0 =	sadd.s32 s2, s25  }
0x1a: {  	v0 =	vand.u32 $0x7, v2;
	v2 =	vor.u32 $0x8, v2;
	v1 =	vmul.u32 $0x8, v1;
	s2 =	simm.s32 $0xD100;
	[dreg:$0xe] =	wrdreg s0;
	s0 =	simm.s32 $0xC900  }
.LBB2_1:
0x1b: {  	s5 =	rddreg [dreg:$0x3]  }
0x1c: {  	[tilespmem:s1], [sflag:$0x3] =	stream.linear.gather [hbm4b:s5+s1], $0x10, $0x38;
	[tilespmem:$0x10100] =	vst v63  }
0x1d: {  	_ =	swait.ge [sflag:s24], $0x10  }
0x1e: {  	[sflag:s24] =	ssyncset.done $0x0  }
0x1f: {  	s20 =	simm.s32 $0x80;
	s25 =	rddreg [dreg:$0x4];
	[sflag:s24] =	ssyncadd.s32 $0xFFFFFFF0  }
0x20: {  	[tilespmem:s20], [sflag:$0x3] =	stream.linear.gather [hbm4b:s25+s1], $0x10, $0x38;
	[tilespmem:$0x10100] =	vst v63  }
0x21: {  	_ =	swait.ge [sflag:s24], $0x10  }
0x22: {  	[sflag:s24] =	ssyncset.done $0x0  }
0x23: {  	[sflag:s24] =	ssyncadd.s32 $0xFFFFFFF0  }
0x24: {  	v3 =	vld [tilespmem:$0x0];
	_ =	sdelay $0x4  }
0x25: {  	v4 =	vshll.u32 v3, $0x4  }
0x26: {  	v3 =	vand.u32 $0x7, v3;
	v4 =	vand.u32 $0xFFFFFF80, v4  }
0x27: {  	v3 =	vor.u32 v3, v4  }
0x28: {  	v4 =	vperm.xlane v3, v0;
	_ =	sdelay $0x1  }
0x29: {  	v4 =	vadd.s32 v1, v4;
	_ =	sdelay $0x4  }
0x2a: {  	[tilespmem:s26], [sflag:$0x1] =	stream.indirect_vreg.gather [hbm4b:s3+s1], $0x80, v4, vm0, $0xb8;
	[tilespmem:$0x10100] =	vst v63  }
0x2b: {  	s21 =	simm.s32 $0x900  }
0x2c: {  	[tilespmem:s21], [sflag:$0x1] =	stream.indirect_vreg.gather [hbm4b:s4+s1], $0x80, v4, vm0, $0xb8;
	[tilespmem:$0x10100] =	vst v63  }
0x2d: {  	s22 =	simm.s32 $0x1100  }
0x2e: {  	[tilespmem:s22], [sflag:$0x1] =	stream.indirect_vreg.gather [hbm4b:s6+s1], $0x80, v4, vm0, $0xb8;
	[tilespmem:$0x10100] =	vst v63  }
0x2f: {  	s23 =	simm.s32 $0x1900  }
0x30: {  	[tilespmem:s23], [sflag:$0x1] =	stream.indirect_vreg.gather [hbm4b:s7+s1], $0x80, v4, vm0, $0xb8;
	[tilespmem:$0x10100] =	vst v63  }
0x31: {  	s25 =	simm.s32 $0x2100  }
0x32: {  	[tilespmem:s25], [sflag:$0x1] =	stream.indirect_vreg.gather [hbm4b:s9+s1], $0x80, v4, vm0, $0xb8;
	[tilespmem:$0x10100] =	vst v63  }
0x33: {  	s20 =	simm.s32 $0x2900;
	v3 =	vperm.xlane v3, v2  }
0x34: {  	[tilespmem:s20], [sflag:$0x1] =	stream.indirect_vreg.gather [hbm4b:s10+s1], $0x80, v4, vm0, $0xb8;
	[tilespmem:$0x10100] =	vst v63  }
0x35: {  	v3 =	vadd.s32 v1, v3;
	s21 =	simm.s32 $0x3100  }
0x36: {  	[tilespmem:s21], [sflag:$0x1] =	stream.indirect_vreg.gather [hbm4b:s11+s1], $0x80, v4, vm0, $0xb8;
	[tilespmem:$0x10100] =	vst v63  }
0x37: {  	s22 =	simm.s32 $0x3900  }
0x38: {  	[tilespmem:s22], [sflag:$0x1] =	stream.indirect_vreg.gather [hbm4b:s12+s1], $0x80, v4, vm0, $0xb8;
	[tilespmem:$0x10100] =	vst v63  }
0x39: {  	s23 =	simm.s32 $0x4100  }
0x3a: {  	[tilespmem:s23], [sflag:$0x1] =	stream.indirect_vreg.gather [hbm4b:s3+s1], $0x80, v3, vm0, $0xb8;
	[tilespmem:$0x10100] =	vst v63  }
0x3b: {  	s25 =	simm.s32 $0x4900  }
0x3c: {  	[tilespmem:s25], [sflag:$0x1] =	stream.indirect_vreg.gather [hbm4b:s4+s1], $0x80, v3, vm0, $0xb8;
	[tilespmem:$0x10100] =	vst v63  }
0x3d: {  	s20 =	simm.s32 $0x5100  }
0x3e: {  	[tilespmem:s20], [sflag:$0x1] =	stream.indirect_vreg.gather [hbm4b:s6+s1], $0x80, v3, vm0, $0xb8;
	[tilespmem:$0x10100] =	vst v63  }
0x3f: {  	s21 =	simm.s32 $0x5900  }
0x40: {  	[tilespmem:s21], [sflag:$0x1] =	stream.indirect_vreg.gather [hbm4b:s7+s1], $0x80, v3, vm0, $0xb8;
	[tilespmem:$0x10100] =	vst v63  }
0x41: {  	s22 =	simm.s32 $0x6100  }
0x42: {  	[tilespmem:s22], [sflag:$0x1] =	stream.indirect_vreg.gather [hbm4b:s9+s1], $0x80, v3, vm0, $0xb8;
	[tilespmem:$0x10100] =	vst v63  }
0x43: {  	s23 =	simm.s32 $0x6900  }
0x44: {  	[tilespmem:s23], [sflag:$0x1] =	stream.indirect_vreg.gather [hbm4b:s10+s1], $0x80, v3, vm0, $0xb8;
	[tilespmem:$0x10100] =	vst v63  }
0x45: {  	s25 =	simm.s32 $0x7100  }
0x46: {  	[tilespmem:s25], [sflag:$0x1] =	stream.indirect_vreg.gather [hbm4b:s11+s1], $0x80, v3, vm0, $0xb8;
	[tilespmem:$0x10100] =	vst v63  }
0x47: {  	s20 =	simm.s32 $0x7900  }
0x48: {  	[tilespmem:s20], [sflag:$0x1] =	stream.indirect_vreg.gather [hbm4b:s12+s1], $0x80, v3, vm0, $0xb8;
	[tilespmem:$0x10100] =	vst v63  }
0x49: {  	v3 =	vld [tilespmem:$0x80];
	_ =	sdelay $0x4  }
0x4a: {  	v4 =	vshll.u32 v3, $0x4  }
0x4b: {  	v3 =	vand.u32 $0x7, v3;
	v4 =	vand.u32 $0xFFFFFF80, v4  }
0x4c: {  	v3 =	vor.u32 v3, v4  }
0x4d: {  	v4 =	vperm.xlane v3, v0;
	_ =	sdelay $0x1  }
0x4e: {  	v4 =	vadd.s32 v1, v4;
	_ =	sdelay $0x3  }
0x4f: {  	s21 =	simm.s32 $0x8100  }
0x50: {  	[tilespmem:s21], [sflag:$0x2] =	stream.indirect_vreg.gather [hbm4b:s3+s1], $0x80, v4, vm0, $0xb8;
	[tilespmem:$0x10100] =	vst v63  }
0x51: {  	s22 =	simm.s32 $0x8900  }
0x52: {  	[tilespmem:s22], [sflag:$0x2] =	stream.indirect_vreg.gather [hbm4b:s4+s1], $0x80, v4, vm0, $0xb8;
	[tilespmem:$0x10100] =	vst v63  }
0x53: {  	s23 =	simm.s32 $0x9100  }
0x54: {  	[tilespmem:s23], [sflag:$0x2] =	stream.indirect_vreg.gather [hbm4b:s6+s1], $0x80, v4, vm0, $0xb8;
	[tilespmem:$0x10100] =	vst v63  }
0x55: {  	s25 =	simm.s32 $0x9900  }
0x56: {  	[tilespmem:s25], [sflag:$0x2] =	stream.indirect_vreg.gather [hbm4b:s7+s1], $0x80, v4, vm0, $0xb8;
	[tilespmem:$0x10100] =	vst v63  }
0x57: {  	s20 =	simm.s32 $0xA100  }
0x58: {  	[tilespmem:s20], [sflag:$0x2] =	stream.indirect_vreg.gather [hbm4b:s9+s1], $0x80, v4, vm0, $0xb8;
	[tilespmem:$0x10100] =	vst v63  }
0x59: {  	v3 =	vperm.xlane v3, v2  }
0x5a: {  	[tilespmem:s28], [sflag:$0x2] =	stream.indirect_vreg.gather [hbm4b:s10+s1], $0x80, v4, vm0, $0xb8;
	[tilespmem:$0x10100] =	vst v63  }
0x5b: {  	v3 =	vadd.s32 v1, v3  }
0x5c: {  	[tilespmem:s29], [sflag:$0x2] =	stream.indirect_vreg.gather [hbm4b:s11+s1], $0x80, v4, vm0, $0xb8;
	[tilespmem:$0x10100] =	vst v63  }
0x5d: {  	_ = 	snop  }
0x5e: {  	[tilespmem:s30], [sflag:$0x2] =	stream.indirect_vreg.gather [hbm4b:s12+s1], $0x80, v4, vm0, $0xb8;
	[tilespmem:$0x10100] =	vst v63  }
0x5f: {  	_ = 	snop  }
0x60: {  	[tilespmem:s31], [sflag:$0x2] =	stream.indirect_vreg.gather [hbm4b:s3+s1], $0x80, v3, vm0, $0xb8;
	[tilespmem:$0x10100] =	vst v63  }
0x61: {  	_ = 	snop  }
0x62: {  	[tilespmem:s0], [sflag:$0x2] =	stream.indirect_vreg.gather [hbm4b:s4+s1], $0x80, v3, vm0, $0xb8;
	[tilespmem:$0x10100] =	vst v63  }
0x63: {  	_ = 	snop  }
0x64: {  	[tilespmem:s2], [sflag:$0x2] =	stream.indirect_vreg.gather [hbm4b:s6+s1], $0x80, v3, vm0, $0xb8;
	[tilespmem:$0x10100] =	vst v63  }
0x65: {  	_ = 	snop  }
0x66: {  	[tilespmem:s8], [sflag:$0x2] =	stream.indirect_vreg.gather [hbm4b:s7+s1], $0x80, v3, vm0, $0xb8;
	[tilespmem:$0x10100] =	vst v63  }
0x67: {  	_ = 	snop  }
0x68: {  	[tilespmem:s13], [sflag:$0x2] =	stream.indirect_vreg.gather [hbm4b:s9+s1], $0x80, v3, vm0, $0xb8;
	[tilespmem:$0x10100] =	vst v63  }
0x69: {  	_ = 	snop  }
0x6a: {  	[tilespmem:s14], [sflag:$0x2] =	stream.indirect_vreg.gather [hbm4b:s10+s1], $0x80, v3, vm0, $0xb8;
	[tilespmem:$0x10100] =	vst v63  }
0x6b: {  	_ = 	snop  }
0x6c: {  	[tilespmem:s15], [sflag:$0x2] =	stream.indirect_vreg.gather [hbm4b:s11+s1], $0x80, v3, vm0, $0xb8;
	[tilespmem:$0x10100] =	vst v63  }
0x6d: {  	_ = 	snop  }
0x6e: {  	[tilespmem:s16], [sflag:$0x2] =	stream.indirect_vreg.gather [hbm4b:s12+s1], $0x80, v3, vm0, $0xb8;
	[tilespmem:$0x10100] =	vst v63  }
0x6f: {  	_ =	swait.ge [sflag:s17], $0x8000  }
0x70: {  	[sflag:s17] =	ssyncset.done $0x0  }
0x71: {  	[sflag:s17] =	ssyncadd.s32 $0xFFFF8000  }
0x72: {  	s21 =	sand.u32 $0x3C00, s1;
	s22 =	sand.u32 $0x380, s1;
	_ =	swait.ge [sflag:s18], $0x8000  }
0x73: {  	s5 =	sor.u32 s22, s21;
	s23 =	sand.u32 $0x4070, s1;
	[sflag:s18] =	ssyncset.done $0x0  }
0x74: {  	s20 =	sor.u32 s23, s5;
	[sflag:s18] =	ssyncadd.s32 $0xFFFF8000  }
0x75: {  	v3 =	vld [tilespmem:s20+$0x8100]  }
0x76: {  	v4 =	vld [tilespmem:s20+$0x100];
	_ =	sdelay $0x2  }
0x77: {  	s21 =	simm.s32 $0x80;
	s25 =	simm.s32 $0x1  }
0x78: {  	s22 =	simm.s32 $0x10;
	s23 =	sand.u32 $0x3C00, s21;
	s5 =	sand.u32 $0x380, s25  }
0x79: {  	s25 =	sand.u32 $0x4070, s22;
	s5 =	sor.u32 s5, s23;
	s23 =	simm.s32 $0x2;
	v3 =	vadd.f32 v3, v4  }
.LBB2_2:
0x7a: {  	p0 =	sne.s32 s23, $0x7FF;
	s5 =	sor.u32 s25, s5  }
0x7b: {  	v4 =	vld [tilespmem:s5+$0x8100];
	[tilespmem:s20+$0x100] =	vst v3;
	s20 =	smov.u32 s5  }
0x7c: {  	v3 =	vld [tilespmem:s20+$0x100]  }
.Ltmp0:
0x7d: {  	(pc) =	sbr.rel @p0 .LBB2_2-.Ltmp0, $4  }
0x7e: {  	_ = 	snop  }
0x7f: {  	s21 =	sadd.s32 $0x80, s21  }
0x80: {  	s25 =	sand.u32 $0x380, s23;
	s22 =	sadd.s32 $0x10, s22;
	s5 =	sand.u32 $0x3C00, s21  }
0x81: {  	s23 =	sadd.s32 $0x1, s23;
	s5 =	sor.u32 s25, s5;
	s25 =	sand.u32 $0x4070, s22;
	v3 =	vadd.f32 v4, v3  }
0x82: {  	s5 =	sor.u32 s25, s5  }
0x83: {  	v4 =	vld [tilespmem:s5+$0x8100];
	[tilespmem:s20+$0x100] =	vst v3  }
0x84: {  	v3 =	vld [tilespmem:s5+$0x100];
	_ =	sdelay $0x4  }
0x85: {  	v3 =	vadd.f32 v4, v3;
	_ =	sdelay $0x1  }
0x86: {  	s22 =	rddreg [dreg:$0x5];
	s20 =	simm.s32 $0x0;
	[tilespmem:s5+$0x100] =	vst v3  }
0x87: {  	[hbm4b:s22+s20] =	stream.linear.scatter [tilespmem:s26], [sflag:$0x3], $0x8000, $0x38;
	[tilespmem:$0x10100] =	vst v63  }
0x88: {  	_ =	swait.ge [sflag:s24], $0x8000  }
0x89: {  	[sflag:s24] =	ssyncset.done $0x0  }
0x8a: {  	s23 =	rddreg [dreg:$0x6];
	[sflag:s24] =	ssyncadd.s32 $0xFFFF8000  }
0x8b: {  	[tilespmem:s20], [sflag:$0x3] =	stream.linear.gather [hbm4b:s23+s20], $0x10, $0x38;
	[tilespmem:$0x10100] =	vst v63  }
0x8c: {  	_ =	swait.ge [sflag:s24], $0x10  }
0x8d: {  	[sflag:s24] =	ssyncset.done $0x0  }
0x8e: {  	s21 =	simm.s32 $0x80;
	s25 =	rddreg [dreg:$0x7];
	[sflag:s24] =	ssyncadd.s32 $0xFFFFFFF0  }
0x8f: {  	[tilespmem:s21], [sflag:$0x3] =	stream.linear.gather [hbm4b:s25+s20], $0x10, $0x38;
	[tilespmem:$0x10100] =	vst v63  }
0x90: {  	_ =	swait.ge [sflag:s24], $0x10  }
0x91: {  	[sflag:s24] =	ssyncset.done $0x0  }
0x92: {  	[sflag:s24] =	ssyncadd.s32 $0xFFFFFFF0  }
0x93: {  	v3 =	vld [tilespmem:$0x0];
	_ =	sdelay $0x4  }
0x94: {  	v4 =	vshll.u32 v3, $0x4  }
0x95: {  	v3 =	vand.u32 $0x7, v3;
	v4 =	vand.u32 $0xFFFFFF80, v4  }
0x96: {  	v3 =	vor.u32 v3, v4  }
0x97: {  	v4 =	vperm.xlane v3, v0;
	_ =	sdelay $0x1  }
0x98: {  	v4 =	vadd.s32 v1, v4;
	_ =	sdelay $0x4  }
0x99: {  	[tilespmem:s26], [sflag:$0x1] =	stream.indirect_vreg.gather [hbm4b:s3+s20], $0x80, v4, vm0, $0xb8;
	[tilespmem:$0x10100] =	vst v63  }
0x9a: {  	s22 =	simm.s32 $0x900  }
0x9b: {  	[tilespmem:s22], [sflag:$0x1] =	stream.indirect_vreg.gather [hbm4b:s4+s20], $0x80, v4, vm0, $0xb8;
	[tilespmem:$0x10100] =	vst v63  }
0x9c: {  	s23 =	simm.s32 $0x1100  }
0x9d: {  	[tilespmem:s23], [sflag:$0x1] =	stream.indirect_vreg.gather [hbm4b:s6+s20], $0x80, v4, vm0, $0xb8;
	[tilespmem:$0x10100] =	vst v63  }
0x9e: {  	s25 =	simm.s32 $0x1900  }
0x9f: {  	[tilespmem:s25], [sflag:$0x1] =	stream.indirect_vreg.gather [hbm4b:s7+s20], $0x80, v4, vm0, $0xb8;
	[tilespmem:$0x10100] =	vst v63  }
0xa0: {  	s21 =	simm.s32 $0x2100  }
0xa1: {  	[tilespmem:s21], [sflag:$0x1] =	stream.indirect_vreg.gather [hbm4b:s9+s20], $0x80, v4, vm0, $0xb8;
	[tilespmem:$0x10100] =	vst v63  }
0xa2: {  	v3 =	vperm.xlane v3, v2;
	s22 =	simm.s32 $0x2900  }
0xa3: {  	[tilespmem:s22], [sflag:$0x1] =	stream.indirect_vreg.gather [hbm4b:s10+s20], $0x80, v4, vm0, $0xb8;
	[tilespmem:$0x10100] =	vst v63  }
0xa4: {  	v3 =	vadd.s32 v1, v3;
	s23 =	simm.s32 $0x3100  }
0xa5: {  	[tilespmem:s23], [sflag:$0x1] =	stream.indirect_vreg.gather [hbm4b:s11+s20], $0x80, v4, vm0, $0xb8;
	[tilespmem:$0x10100] =	vst v63  }
0xa6: {  	s25 =	simm.s32 $0x3900  }
0xa7: {  	[tilespmem:s25], [sflag:$0x1] =	stream.indirect_vreg.gather [hbm4b:s12+s20], $0x80, v4, vm0, $0xb8;
	[tilespmem:$0x10100] =	vst v63  }
0xa8: {  	s21 =	simm.s32 $0x4100  }
0xa9: {  	[tilespmem:s21], [sflag:$0x1] =	stream.indirect_vreg.gather [hbm4b:s3+s20], $0x80, v3, vm0, $0xb8;
	[tilespmem:$0x10100] =	vst v63  }
0xaa: {  	s22 =	simm.s32 $0x4900  }
0xab: {  	[tilespmem:s22], [sflag:$0x1] =	stream.indirect_vreg.gather [hbm4b:s4+s20], $0x80, v3, vm0, $0xb8;
	[tilespmem:$0x10100] =	vst v63  }
0xac: {  	s23 =	simm.s32 $0x5100  }
0xad: {  	[tilespmem:s23], [sflag:$0x1] =	stream.indirect_vreg.gather [hbm4b:s6+s20], $0x80, v3, vm0, $0xb8;
	[tilespmem:$0x10100] =	vst v63  }
0xae: {  	s25 =	simm.s32 $0x5900  }
0xaf: {  	[tilespmem:s25], [sflag:$0x1] =	stream.indirect_vreg.gather [hbm4b:s7+s20], $0x80, v3, vm0, $0xb8;
	[tilespmem:$0x10100] =	vst v63  }
0xb0: {  	s21 =	simm.s32 $0x6100  }
0xb1: {  	[tilespmem:s21], [sflag:$0x1] =	stream.indirect_vreg.gather [hbm4b:s9+s20], $0x80, v3, vm0, $0xb8;
	[tilespmem:$0x10100] =	vst v63  }
0xb2: {  	s22 =	simm.s32 $0x6900  }
0xb3: {  	[tilespmem:s22], [sflag:$0x1] =	stream.indirect_vreg.gather [hbm4b:s10+s20], $0x80, v3, vm0, $0xb8;
	[tilespmem:$0x10100] =	vst v63  }
0xb4: {  	s23 =	simm.s32 $0x7100  }
0xb5: {  	[tilespmem:s23], [sflag:$0x1] =	stream.indirect_vreg.gather [hbm4b:s11+s20], $0x80, v3, vm0, $0xb8;
	[tilespmem:$0x10100] =	vst v63  }
0xb6: {  	s25 =	simm.s32 $0x7900  }
0xb7: {  	[tilespmem:s25], [sflag:$0x1] =	stream.indirect_vreg.gather [hbm4b:s12+s20], $0x80, v3, vm0, $0xb8;
	[tilespmem:$0x10100] =	vst v63  }
0xb8: {  	v3 =	vld [tilespmem:$0x80];
	_ =	sdelay $0x4  }
0xb9: {  	v4 =	vshll.u32 v3, $0x4  }
0xba: {  	v3 =	vand.u32 $0x7, v3;
	v4 =	vand.u32 $0xFFFFFF80, v4  }
0xbb: {  	v3 =	vor.u32 v3, v4  }
0xbc: {  	v4 =	vperm.xlane v3, v0;
	_ =	sdelay $0x1  }
0xbd: {  	v4 =	vadd.s32 v1, v4;
	_ =	sdelay $0x3  }
0xbe: {  	s21 =	simm.s32 $0x8100  }
0xbf: {  	[tilespmem:s21], [sflag:$0x2] =	stream.indirect_vreg.gather [hbm4b:s3+s20], $0x80, v4, vm0, $0xb8;
	[tilespmem:$0x10100] =	vst v63  }
0xc0: {  	s22 =	simm.s32 $0x8900  }
0xc1: {  	[tilespmem:s22], [sflag:$0x2] =	stream.indirect_vreg.gather [hbm4b:s4+s20], $0x80, v4, vm0, $0xb8;
	[tilespmem:$0x10100] =	vst v63  }
0xc2: {  	s23 =	simm.s32 $0x9100  }
0xc3: {  	[tilespmem:s23], [sflag:$0x2] =	stream.indirect_vreg.gather [hbm4b:s6+s20], $0x80, v4, vm0, $0xb8;
	[tilespmem:$0x10100] =	vst v63  }
0xc4: {  	s25 =	simm.s32 $0x9900  }
0xc5: {  	[tilespmem:s25], [sflag:$0x2] =	stream.indirect_vreg.gather [hbm4b:s7+s20], $0x80, v4, vm0, $0xb8;
	[tilespmem:$0x10100] =	vst v63  }
0xc6: {  	s21 =	simm.s32 $0xA100  }
0xc7: {  	[tilespmem:s21], [sflag:$0x2] =	stream.indirect_vreg.gather [hbm4b:s9+s20], $0x80, v4, vm0, $0xb8;
	[tilespmem:$0x10100] =	vst v63  }
0xc8: {  	v3 =	vperm.xlane v3, v2  }
0xc9: {  	[tilespmem:s28], [sflag:$0x2] =	stream.indirect_vreg.gather [hbm4b:s10+s20], $0x80, v4, vm0, $0xb8;
	[tilespmem:$0x10100] =	vst v63  }
0xca: {  	v3 =	vadd.s32 v1, v3  }
0xcb: {  	[tilespmem:s29], [sflag:$0x2] =	stream.indirect_vreg.gather [hbm4b:s11+s20], $0x80, v4, vm0, $0xb8;
	[tilespmem:$0x10100] =	vst v63  }
0xcc: {  	_ = 	snop  }
0xcd: {  	[tilespmem:s30], [sflag:$0x2] =	stream.indirect_vreg.gather [hbm4b:s12+s20], $0x80, v4, vm0, $0xb8;
	[tilespmem:$0x10100] =	vst v63  }
0xce: {  	_ = 	snop  }
0xcf: {  	[tilespmem:s31], [sflag:$0x2] =	stream.indirect_vreg.gather [hbm4b:s3+s20], $0x80, v3, vm0, $0xb8;
	[tilespmem:$0x10100] =	vst v63  }
0xd0: {  	_ = 	snop  }
0xd1: {  	[tilespmem:s0], [sflag:$0x2] =	stream.indirect_vreg.gather [hbm4b:s4+s20], $0x80, v3, vm0, $0xb8;
	[tilespmem:$0x10100] =	vst v63  }
0xd2: {  	_ = 	snop  }
0xd3: {  	[tilespmem:s2], [sflag:$0x2] =	stream.indirect_vreg.gather [hbm4b:s6+s20], $0x80, v3, vm0, $0xb8;
	[tilespmem:$0x10100] =	vst v63  }
0xd4: {  	_ = 	snop  }
0xd5: {  	[tilespmem:s8], [sflag:$0x2] =	stream.indirect_vreg.gather [hbm4b:s7+s20], $0x80, v3, vm0, $0xb8;
	[tilespmem:$0x10100] =	vst v63  }
0xd6: {  	_ = 	snop  }
0xd7: {  	[tilespmem:s13], [sflag:$0x2] =	stream.indirect_vreg.gather [hbm4b:s9+s20], $0x80, v3, vm0, $0xb8;
	[tilespmem:$0x10100] =	vst v63  }
0xd8: {  	_ = 	snop  }
0xd9: {  	[tilespmem:s14], [sflag:$0x2] =	stream.indirect_vreg.gather [hbm4b:s10+s20], $0x80, v3, vm0, $0xb8;
	[tilespmem:$0x10100] =	vst v63  }
0xda: {  	_ = 	snop  }
0xdb: {  	[tilespmem:s15], [sflag:$0x2] =	stream.indirect_vreg.gather [hbm4b:s11+s20], $0x80, v3, vm0, $0xb8;
	[tilespmem:$0x10100] =	vst v63  }
0xdc: {  	_ = 	snop  }
0xdd: {  	[tilespmem:s16], [sflag:$0x2] =	stream.indirect_vreg.gather [hbm4b:s12+s20], $0x80, v3, vm0, $0xb8;
	[tilespmem:$0x10100] =	vst v63  }
0xde: {  	_ =	swait.ge [sflag:s17], $0x8000  }
0xdf: {  	[sflag:s17] =	ssyncset.done $0x0  }
0xe0: {  	[sflag:s17] =	ssyncadd.s32 $0xFFFF8000  }
0xe1: {  	s22 =	sand.u32 $0x3C00, s20;
	s23 =	sand.u32 $0x380, s20;
	_ =	swait.ge [sflag:s18], $0x8000  }
0xe2: {  	s5 =	sor.u32 s23, s22;
	s20 =	sand.u32 $0x4070, s20;
	[sflag:s18] =	ssyncset.done $0x0  }
0xe3: {  	s20 =	sor.u32 s20, s5;
	[sflag:s18] =	ssyncadd.s32 $0xFFFF8000  }
0xe4: {  	v3 =	vld [tilespmem:s20+$0x8100]  }
0xe5: {  	v4 =	vld [tilespmem:s20+$0x100];
	_ =	sdelay $0x2  }
0xe6: {  	s25 =	simm.s32 $0x1;
	s21 =	simm.s32 $0x80  }
0xe7: {  	s22 =	simm.s32 $0x10;
	s23 =	sand.u32 $0x3C00, s21;
	s5 =	sand.u32 $0x380, s25  }
0xe8: {  	s25 =	sand.u32 $0x4070, s22;
	s5 =	sor.u32 s5, s23;
	s23 =	simm.s32 $0x2;
	v3 =	vadd.f32 v3, v4  }
.LBB2_4:
0xe9: {  	p0 =	sne.s32 s23, $0x7FF;
	s5 =	sor.u32 s25, s5  }
0xea: {  	v4 =	vld [tilespmem:s5+$0x8100];
	[tilespmem:s20+$0x100] =	vst v3;
	s20 =	smov.u32 s5  }
0xeb: {  	v3 =	vld [tilespmem:s20+$0x100]  }
.Ltmp1:
0xec: {  	(pc) =	sbr.rel @p0 .LBB2_4-.Ltmp1, $4  }
0xed: {  	_ = 	snop  }
0xee: {  	s21 =	sadd.s32 $0x80, s21  }
0xef: {  	s25 =	sand.u32 $0x380, s23;
	s22 =	sadd.s32 $0x10, s22;
	s5 =	sand.u32 $0x3C00, s21  }
0xf0: {  	s23 =	sadd.s32 $0x1, s23;
	s5 =	sor.u32 s25, s5;
	s25 =	sand.u32 $0x4070, s22;
	v3 =	vadd.f32 v4, v3  }
0xf1: {  	s5 =	sor.u32 s25, s5  }
0xf2: {  	v4 =	vld [tilespmem:s5+$0x8100];
	[tilespmem:s20+$0x100] =	vst v3  }
0xf3: {  	v3 =	vld [tilespmem:s5+$0x100];
	_ =	sdelay $0x4  }
0xf4: {  	v3 =	vadd.f32 v4, v3;
	_ =	sdelay $0x1  }
0xf5: {  	s22 =	rddreg [dreg:$0x8];
	s20 =	simm.s32 $0x0;
	[tilespmem:s5+$0x100] =	vst v3  }
0xf6: {  	[hbm4b:s22+s20] =	stream.linear.scatter [tilespmem:s26], [sflag:$0x3], $0x8000, $0x38;
	[tilespmem:$0x10100] =	vst v63  }
0xf7: {  	_ =	swait.ge [sflag:s24], $0x8000  }
0xf8: {  	[sflag:s24] =	ssyncset.done $0x0  }
0xf9: {  	s23 =	rddreg [dreg:$0x9];
	[sflag:s24] =	ssyncadd.s32 $0xFFFF8000  }
0xfa: {  	[tilespmem:s20], [sflag:$0x3] =	stream.linear.gather [hbm4b:s23+s20], $0x10, $0x38;
	[tilespmem:$0x10100] =	vst v63  }
0xfb: {  	_ =	swait.ge [sflag:s24], $0x10  }
0xfc: {  	[sflag:s24] =	ssyncset.done $0x0  }
0xfd: {  	s21 =	simm.s32 $0x80;
	s25 =	rddreg [dreg:$0xa];
	[sflag:s24] =	ssyncadd.s32 $0xFFFFFFF0  }
0xfe: {  	[tilespmem:s21], [sflag:$0x3] =	stream.linear.gather [hbm4b:s25+s20], $0x10, $0x38;
	[tilespmem:$0x10100] =	vst v63  }
0xff: {  	_ =	swait.ge [sflag:s24], $0x10  }
0x100: {  	[sflag:s24] =	ssyncset.done $0x0  }
0x101: {  	[sflag:s24] =	ssyncadd.s32 $0xFFFFFFF0  }
0x102: {  	v3 =	vld [tilespmem:$0x0];
	_ =	sdelay $0x4  }
0x103: {  	v4 =	vshll.u32 v3, $0x4  }
0x104: {  	v3 =	vand.u32 $0x7, v3;
	v4 =	vand.u32 $0xFFFFFF80, v4  }
0x105: {  	v3 =	vor.u32 v3, v4  }
0x106: {  	v4 =	vperm.xlane v3, v0;
	_ =	sdelay $0x1  }
0x107: {  	v4 =	vadd.s32 v1, v4;
	_ =	sdelay $0x4  }
0x108: {  	[tilespmem:s26], [sflag:$0x1] =	stream.indirect_vreg.gather [hbm4b:s3+s20], $0x80, v4, vm0, $0xb8;
	[tilespmem:$0x10100] =	vst v63  }
0x109: {  	s22 =	simm.s32 $0x900  }
0x10a: {  	[tilespmem:s22], [sflag:$0x1] =	stream.indirect_vreg.gather [hbm4b:s4+s20], $0x80, v4, vm0, $0xb8;
	[tilespmem:$0x10100] =	vst v63  }
0x10b: {  	s23 =	simm.s32 $0x1100  }
0x10c: {  	[tilespmem:s23], [sflag:$0x1] =	stream.indirect_vreg.gather [hbm4b:s6+s20], $0x80, v4, vm0, $0xb8;
	[tilespmem:$0x10100] =	vst v63  }
0x10d: {  	s25 =	simm.s32 $0x1900  }
0x10e: {  	[tilespmem:s25], [sflag:$0x1] =	stream.indirect_vreg.gather [hbm4b:s7+s20], $0x80, v4, vm0, $0xb8;
	[tilespmem:$0x10100] =	vst v63  }
0x10f: {  	s21 =	simm.s32 $0x2100  }
0x110: {  	[tilespmem:s21], [sflag:$0x1] =	stream.indirect_vreg.gather [hbm4b:s9+s20], $0x80, v4, vm0, $0xb8;
	[tilespmem:$0x10100] =	vst v63  }
0x111: {  	v3 =	vperm.xlane v3, v2;
	s22 =	simm.s32 $0x2900  }
0x112: {  	[tilespmem:s22], [sflag:$0x1] =	stream.indirect_vreg.gather [hbm4b:s10+s20], $0x80, v4, vm0, $0xb8;
	[tilespmem:$0x10100] =	vst v63  }
0x113: {  	v3 =	vadd.s32 v1, v3;
	s23 =	simm.s32 $0x3100  }
0x114: {  	[tilespmem:s23], [sflag:$0x1] =	stream.indirect_vreg.gather [hbm4b:s11+s20], $0x80, v4, vm0, $0xb8;
	[tilespmem:$0x10100] =	vst v63  }
0x115: {  	s25 =	simm.s32 $0x3900  }
0x116: {  	[tilespmem:s25], [sflag:$0x1] =	stream.indirect_vreg.gather [hbm4b:s12+s20], $0x80, v4, vm0, $0xb8;
	[tilespmem:$0x10100] =	vst v63  }
0x117: {  	s21 =	simm.s32 $0x4100  }
0x118: {  	[tilespmem:s21], [sflag:$0x1] =	stream.indirect_vreg.gather [hbm4b:s3+s20], $0x80, v3, vm0, $0xb8;
	[tilespmem:$0x10100] =	vst v63  }
0x119: {  	s22 =	simm.s32 $0x4900  }
0x11a: {  	[tilespmem:s22], [sflag:$0x1] =	stream.indirect_vreg.gather [hbm4b:s4+s20], $0x80, v3, vm0, $0xb8;
	[tilespmem:$0x10100] =	vst v63  }
0x11b: {  	s23 =	simm.s32 $0x5100  }
0x11c: {  	[tilespmem:s23], [sflag:$0x1] =	stream.indirect_vreg.gather [hbm4b:s6+s20], $0x80, v3, vm0, $0xb8;
	[tilespmem:$0x10100] =	vst v63  }
0x11d: {  	s25 =	simm.s32 $0x5900  }
0x11e: {  	[tilespmem:s25], [sflag:$0x1] =	stream.indirect_vreg.gather [hbm4b:s7+s20], $0x80, v3, vm0, $0xb8;
	[tilespmem:$0x10100] =	vst v63  }
0x11f: {  	s21 =	simm.s32 $0x6100  }
0x120: {  	[tilespmem:s21], [sflag:$0x1] =	stream.indirect_vreg.gather [hbm4b:s9+s20], $0x80, v3, vm0, $0xb8;
	[tilespmem:$0x10100] =	vst v63  }
0x121: {  	s22 =	simm.s32 $0x6900  }
0x122: {  	[tilespmem:s22], [sflag:$0x1] =	stream.indirect_vreg.gather [hbm4b:s10+s20], $0x80, v3, vm0, $0xb8;
	[tilespmem:$0x10100] =	vst v63  }
0x123: {  	s23 =	simm.s32 $0x7100  }
0x124: {  	[tilespmem:s23], [sflag:$0x1] =	stream.indirect_vreg.gather [hbm4b:s11+s20], $0x80, v3, vm0, $0xb8;
	[tilespmem:$0x10100] =	vst v63  }
0x125: {  	s25 =	simm.s32 $0x7900  }
0x126: {  	[tilespmem:s25], [sflag:$0x1] =	stream.indirect_vreg.gather [hbm4b:s12+s20], $0x80, v3, vm0, $0xb8;
	[tilespmem:$0x10100] =	vst v63  }
0x127: {  	v3 =	vld [tilespmem:$0x80];
	_ =	sdelay $0x4  }
0x128: {  	v4 =	vshll.u32 v3, $0x4  }
0x129: {  	v3 =	vand.u32 $0x7, v3;
	v4 =	vand.u32 $0xFFFFFF80, v4  }
0x12a: {  	v3 =	vor.u32 v3, v4  }
0x12b: {  	v4 =	vperm.xlane v3, v0;
	_ =	sdelay $0x1  }
0x12c: {  	v4 =	vadd.s32 v1, v4;
	_ =	sdelay $0x3  }
0x12d: {  	s21 =	simm.s32 $0x8100  }
0x12e: {  	[tilespmem:s21], [sflag:$0x2] =	stream.indirect_vreg.gather [hbm4b:s3+s20], $0x80, v4, vm0, $0xb8;
	[tilespmem:$0x10100] =	vst v63  }
0x12f: {  	s22 =	simm.s32 $0x8900  }
0x130: {  	[tilespmem:s22], [sflag:$0x2] =	stream.indirect_vreg.gather [hbm4b:s4+s20], $0x80, v4, vm0, $0xb8;
	[tilespmem:$0x10100] =	vst v63  }
0x131: {  	s23 =	simm.s32 $0x9100  }
0x132: {  	[tilespmem:s23], [sflag:$0x2] =	stream.indirect_vreg.gather [hbm4b:s6+s20], $0x80, v4, vm0, $0xb8;
	[tilespmem:$0x10100] =	vst v63  }
0x133: {  	s25 =	simm.s32 $0x9900  }
0x134: {  	[tilespmem:s25], [sflag:$0x2] =	stream.indirect_vreg.gather [hbm4b:s7+s20], $0x80, v4, vm0, $0xb8;
	[tilespmem:$0x10100] =	vst v63  }
0x135: {  	s21 =	simm.s32 $0xA100  }
0x136: {  	[tilespmem:s21], [sflag:$0x2] =	stream.indirect_vreg.gather [hbm4b:s9+s20], $0x80, v4, vm0, $0xb8;
	[tilespmem:$0x10100] =	vst v63  }
0x137: {  	v3 =	vperm.xlane v3, v2  }
0x138: {  	[tilespmem:s28], [sflag:$0x2] =	stream.indirect_vreg.gather [hbm4b:s10+s20], $0x80, v4, vm0, $0xb8;
	[tilespmem:$0x10100] =	vst v63  }
0x139: {  	v3 =	vadd.s32 v1, v3  }
0x13a: {  	[tilespmem:s29], [sflag:$0x2] =	stream.indirect_vreg.gather [hbm4b:s11+s20], $0x80, v4, vm0, $0xb8;
	[tilespmem:$0x10100] =	vst v63  }
0x13b: {  	_ = 	snop  }
0x13c: {  	[tilespmem:s30], [sflag:$0x2] =	stream.indirect_vreg.gather [hbm4b:s12+s20], $0x80, v4, vm0, $0xb8;
	[tilespmem:$0x10100] =	vst v63  }
0x13d: {  	_ = 	snop  }
0x13e: {  	[tilespmem:s31], [sflag:$0x2] =	stream.indirect_vreg.gather [hbm4b:s3+s20], $0x80, v3, vm0, $0xb8;
	[tilespmem:$0x10100] =	vst v63  }
0x13f: {  	_ = 	snop  }
0x140: {  	[tilespmem:s0], [sflag:$0x2] =	stream.indirect_vreg.gather [hbm4b:s4+s20], $0x80, v3, vm0, $0xb8;
	[tilespmem:$0x10100] =	vst v63  }
0x141: {  	_ = 	snop  }
0x142: {  	[tilespmem:s2], [sflag:$0x2] =	stream.indirect_vreg.gather [hbm4b:s6+s20], $0x80, v3, vm0, $0xb8;
	[tilespmem:$0x10100] =	vst v63  }
0x143: {  	_ = 	snop  }
0x144: {  	[tilespmem:s8], [sflag:$0x2] =	stream.indirect_vreg.gather [hbm4b:s7+s20], $0x80, v3, vm0, $0xb8;
	[tilespmem:$0x10100] =	vst v63  }
0x145: {  	_ = 	snop  }
0x146: {  	[tilespmem:s13], [sflag:$0x2] =	stream.indirect_vreg.gather [hbm4b:s9+s20], $0x80, v3, vm0, $0xb8;
	[tilespmem:$0x10100] =	vst v63  }
0x147: {  	_ = 	snop  }
0x148: {  	[tilespmem:s14], [sflag:$0x2] =	stream.indirect_vreg.gather [hbm4b:s10+s20], $0x80, v3, vm0, $0xb8;
	[tilespmem:$0x10100] =	vst v63  }
0x149: {  	_ = 	snop  }
0x14a: {  	[tilespmem:s15], [sflag:$0x2] =	stream.indirect_vreg.gather [hbm4b:s11+s20], $0x80, v3, vm0, $0xb8;
	[tilespmem:$0x10100] =	vst v63  }
0x14b: {  	_ = 	snop  }
0x14c: {  	[tilespmem:s16], [sflag:$0x2] =	stream.indirect_vreg.gather [hbm4b:s12+s20], $0x80, v3, vm0, $0xb8;
	[tilespmem:$0x10100] =	vst v63  }
0x14d: {  	_ =	swait.ge [sflag:s17], $0x8000  }
0x14e: {  	[sflag:s17] =	ssyncset.done $0x0  }
0x14f: {  	[sflag:s17] =	ssyncadd.s32 $0xFFFF8000  }
0x150: {  	s22 =	sand.u32 $0x3C00, s20;
	s23 =	sand.u32 $0x380, s20;
	_ =	swait.ge [sflag:s18], $0x8000  }
0x151: {  	s5 =	sor.u32 s23, s22;
	s20 =	sand.u32 $0x4070, s20;
	[sflag:s18] =	ssyncset.done $0x0  }
0x152: {  	s20 =	sor.u32 s20, s5;
	[sflag:s18] =	ssyncadd.s32 $0xFFFF8000  }
0x153: {  	v3 =	vld [tilespmem:s20+$0x8100]  }
0x154: {  	v4 =	vld [tilespmem:s20+$0x100];
	_ =	sdelay $0x2  }
0x155: {  	s25 =	simm.s32 $0x1;
	s21 =	simm.s32 $0x80  }
0x156: {  	s22 =	simm.s32 $0x10;
	s23 =	sand.u32 $0x3C00, s21;
	s5 =	sand.u32 $0x380, s25  }
0x157: {  	s25 =	sand.u32 $0x4070, s22;
	s5 =	sor.u32 s5, s23;
	s23 =	simm.s32 $0x2;
	v3 =	vadd.f32 v3, v4  }
.LBB2_6:
0x158: {  	p0 =	sne.s32 s23, $0x7FF;
	s5 =	sor.u32 s25, s5  }
0x159: {  	v4 =	vld [tilespmem:s5+$0x8100];
	[tilespmem:s20+$0x100] =	vst v3;
	s20 =	smov.u32 s5  }
0x15a: {  	v3 =	vld [tilespmem:s20+$0x100]  }
.Ltmp2:
0x15b: {  	(pc) =	sbr.rel @p0 .LBB2_6-.Ltmp2, $4  }
0x15c: {  	_ = 	snop  }
0x15d: {  	s21 =	sadd.s32 $0x80, s21  }
0x15e: {  	s25 =	sand.u32 $0x380, s23;
	s22 =	sadd.s32 $0x10, s22;
	s5 =	sand.u32 $0x3C00, s21  }
0x15f: {  	s23 =	sadd.s32 $0x1, s23;
	s5 =	sor.u32 s25, s5;
	s25 =	sand.u32 $0x4070, s22;
	v3 =	vadd.f32 v4, v3  }
0x160: {  	s5 =	sor.u32 s25, s5  }
0x161: {  	v4 =	vld [tilespmem:s5+$0x8100];
	[tilespmem:s20+$0x100] =	vst v3  }
0x162: {  	v3 =	vld [tilespmem:s5+$0x100];
	_ =	sdelay $0x4  }
0x163: {  	v3 =	vadd.f32 v4, v3;
	_ =	sdelay $0x1  }
0x164: {  	s22 =	rddreg [dreg:$0xb];
	s20 =	simm.s32 $0x0;
	[tilespmem:s5+$0x100] =	vst v3  }
0x165: {  	[hbm4b:s22+s20] =	stream.linear.scatter [tilespmem:s26], [sflag:$0x3], $0x8000, $0x38;
	[tilespmem:$0x10100] =	vst v63  }
0x166: {  	_ =	swait.ge [sflag:s24], $0x8000  }
0x167: {  	[sflag:s24] =	ssyncset.done $0x0  }
0x168: {  	s23 =	rddreg [dreg:$0xc];
	[sflag:s24] =	ssyncadd.s32 $0xFFFF8000  }
0x169: {  	[tilespmem:s20], [sflag:$0x3] =	stream.linear.gather [hbm4b:s23+s20], $0x10, $0x38;
	[tilespmem:$0x10100] =	vst v63  }
0x16a: {  	_ =	swait.ge [sflag:s24], $0x10  }
0x16b: {  	[sflag:s24] =	ssyncset.done $0x0  }
0x16c: {  	s21 =	simm.s32 $0x80;
	s25 =	rddreg [dreg:$0xd];
	[sflag:s24] =	ssyncadd.s32 $0xFFFFFFF0  }
0x16d: {  	[tilespmem:s21], [sflag:$0x3] =	stream.linear.gather [hbm4b:s25+s20], $0x10, $0x38;
	[tilespmem:$0x10100] =	vst v63  }
0x16e: {  	_ =	swait.ge [sflag:s24], $0x10  }
0x16f: {  	[sflag:s24] =	ssyncset.done $0x0  }
0x170: {  	[sflag:s24] =	ssyncadd.s32 $0xFFFFFFF0  }
0x171: {  	v3 =	vld [tilespmem:$0x0];
	_ =	sdelay $0x4  }
0x172: {  	v4 =	vshll.u32 v3, $0x4  }
0x173: {  	v3 =	vand.u32 $0x7, v3;
	v4 =	vand.u32 $0xFFFFFF80, v4  }
0x174: {  	v3 =	vor.u32 v3, v4  }
0x175: {  	v4 =	vperm.xlane v3, v0;
	_ =	sdelay $0x1  }
0x176: {  	v4 =	vadd.s32 v1, v4;
	_ =	sdelay $0x4  }
0x177: {  	[tilespmem:s26], [sflag:$0x1] =	stream.indirect_vreg.gather [hbm4b:s3+s20], $0x80, v4, vm0, $0xb8;
	[tilespmem:$0x10100] =	vst v63  }
0x178: {  	s22 =	simm.s32 $0x900  }
0x179: {  	[tilespmem:s22], [sflag:$0x1] =	stream.indirect_vreg.gather [hbm4b:s4+s20], $0x80, v4, vm0, $0xb8;
	[tilespmem:$0x10100] =	vst v63  }
0x17a: {  	s23 =	simm.s32 $0x1100  }
0x17b: {  	[tilespmem:s23], [sflag:$0x1] =	stream.indirect_vreg.gather [hbm4b:s6+s20], $0x80, v4, vm0, $0xb8;
	[tilespmem:$0x10100] =	vst v63  }
0x17c: {  	s25 =	simm.s32 $0x1900  }
0x17d: {  	[tilespmem:s25], [sflag:$0x1] =	stream.indirect_vreg.gather [hbm4b:s7+s20], $0x80, v4, vm0, $0xb8;
	[tilespmem:$0x10100] =	vst v63  }
0x17e: {  	s21 =	simm.s32 $0x2100  }
0x17f: {  	[tilespmem:s21], [sflag:$0x1] =	stream.indirect_vreg.gather [hbm4b:s9+s20], $0x80, v4, vm0, $0xb8;
	[tilespmem:$0x10100] =	vst v63  }
0x180: {  	v3 =	vperm.xlane v3, v2;
	s22 =	simm.s32 $0x2900  }
0x181: {  	[tilespmem:s22], [sflag:$0x1] =	stream.indirect_vreg.gather [hbm4b:s10+s20], $0x80, v4, vm0, $0xb8;
	[tilespmem:$0x10100] =	vst v63  }
0x182: {  	v3 =	vadd.s32 v1, v3;
	s23 =	simm.s32 $0x3100  }
0x183: {  	[tilespmem:s23], [sflag:$0x1] =	stream.indirect_vreg.gather [hbm4b:s11+s20], $0x80, v4, vm0, $0xb8;
	[tilespmem:$0x10100] =	vst v63  }
0x184: {  	s25 =	simm.s32 $0x3900  }
0x185: {  	[tilespmem:s25], [sflag:$0x1] =	stream.indirect_vreg.gather [hbm4b:s12+s20], $0x80, v4, vm0, $0xb8;
	[tilespmem:$0x10100] =	vst v63  }
0x186: {  	s21 =	simm.s32 $0x4100  }
0x187: {  	[tilespmem:s21], [sflag:$0x1] =	stream.indirect_vreg.gather [hbm4b:s3+s20], $0x80, v3, vm0, $0xb8;
	[tilespmem:$0x10100] =	vst v63  }
0x188: {  	s22 =	simm.s32 $0x4900  }
0x189: {  	[tilespmem:s22], [sflag:$0x1] =	stream.indirect_vreg.gather [hbm4b:s4+s20], $0x80, v3, vm0, $0xb8;
	[tilespmem:$0x10100] =	vst v63  }
0x18a: {  	s23 =	simm.s32 $0x5100  }
0x18b: {  	[tilespmem:s23], [sflag:$0x1] =	stream.indirect_vreg.gather [hbm4b:s6+s20], $0x80, v3, vm0, $0xb8;
	[tilespmem:$0x10100] =	vst v63  }
0x18c: {  	s25 =	simm.s32 $0x5900  }
0x18d: {  	[tilespmem:s25], [sflag:$0x1] =	stream.indirect_vreg.gather [hbm4b:s7+s20], $0x80, v3, vm0, $0xb8;
	[tilespmem:$0x10100] =	vst v63  }
0x18e: {  	s21 =	simm.s32 $0x6100  }
0x18f: {  	[tilespmem:s21], [sflag:$0x1] =	stream.indirect_vreg.gather [hbm4b:s9+s20], $0x80, v3, vm0, $0xb8;
	[tilespmem:$0x10100] =	vst v63  }
0x190: {  	s22 =	simm.s32 $0x6900  }
0x191: {  	[tilespmem:s22], [sflag:$0x1] =	stream.indirect_vreg.gather [hbm4b:s10+s20], $0x80, v3, vm0, $0xb8;
	[tilespmem:$0x10100] =	vst v63  }
0x192: {  	s23 =	simm.s32 $0x7100  }
0x193: {  	[tilespmem:s23], [sflag:$0x1] =	stream.indirect_vreg.gather [hbm4b:s11+s20], $0x80, v3, vm0, $0xb8;
	[tilespmem:$0x10100] =	vst v63  }
0x194: {  	s25 =	simm.s32 $0x7900  }
0x195: {  	[tilespmem:s25], [sflag:$0x1] =	stream.indirect_vreg.gather [hbm4b:s12+s20], $0x80, v3, vm0, $0xb8;
	[tilespmem:$0x10100] =	vst v63  }
0x196: {  	v3 =	vld [tilespmem:$0x80];
	_ =	sdelay $0x4  }
0x197: {  	v4 =	vshll.u32 v3, $0x4  }
0x198: {  	v3 =	vand.u32 $0x7, v3;
	v4 =	vand.u32 $0xFFFFFF80, v4  }
0x199: {  	v3 =	vor.u32 v3, v4  }
0x19a: {  	v4 =	vperm.xlane v3, v0;
	_ =	sdelay $0x1  }
0x19b: {  	v4 =	vadd.s32 v1, v4;
	_ =	sdelay $0x3  }
0x19c: {  	s21 =	simm.s32 $0x8100  }
0x19d: {  	[tilespmem:s21], [sflag:$0x2] =	stream.indirect_vreg.gather [hbm4b:s3+s20], $0x80, v4, vm0, $0xb8;
	[tilespmem:$0x10100] =	vst v63  }
0x19e: {  	s22 =	simm.s32 $0x8900  }
0x19f: {  	[tilespmem:s22], [sflag:$0x2] =	stream.indirect_vreg.gather [hbm4b:s4+s20], $0x80, v4, vm0, $0xb8;
	[tilespmem:$0x10100] =	vst v63  }
0x1a0: {  	s23 =	simm.s32 $0x9100  }
0x1a1: {  	[tilespmem:s23], [sflag:$0x2] =	stream.indirect_vreg.gather [hbm4b:s6+s20], $0x80, v4, vm0, $0xb8;
	[tilespmem:$0x10100] =	vst v63  }
0x1a2: {  	s25 =	simm.s32 $0x9900  }
0x1a3: {  	[tilespmem:s25], [sflag:$0x2] =	stream.indirect_vreg.gather [hbm4b:s7+s20], $0x80, v4, vm0, $0xb8;
	[tilespmem:$0x10100] =	vst v63  }
0x1a4: {  	s21 =	simm.s32 $0xA100  }
0x1a5: {  	[tilespmem:s21], [sflag:$0x2] =	stream.indirect_vreg.gather [hbm4b:s9+s20], $0x80, v4, vm0, $0xb8;
	[tilespmem:$0x10100] =	vst v63  }
0x1a6: {  	v3 =	vperm.xlane v3, v2  }
0x1a7: {  	[tilespmem:s28], [sflag:$0x2] =	stream.indirect_vreg.gather [hbm4b:s10+s20], $0x80, v4, vm0, $0xb8;
	[tilespmem:$0x10100] =	vst v63  }
0x1a8: {  	v3 =	vadd.s32 v1, v3  }
0x1a9: {  	[tilespmem:s29], [sflag:$0x2] =	stream.indirect_vreg.gather [hbm4b:s11+s20], $0x80, v4, vm0, $0xb8;
	[tilespmem:$0x10100] =	vst v63  }
0x1aa: {  	_ = 	snop  }
0x1ab: {  	[tilespmem:s30], [sflag:$0x2] =	stream.indirect_vreg.gather [hbm4b:s12+s20], $0x80, v4, vm0, $0xb8;
	[tilespmem:$0x10100] =	vst v63  }
0x1ac: {  	_ = 	snop  }
0x1ad: {  	[tilespmem:s31], [sflag:$0x2] =	stream.indirect_vreg.gather [hbm4b:s3+s20], $0x80, v3, vm0, $0xb8;
	[tilespmem:$0x10100] =	vst v63  }
0x1ae: {  	_ = 	snop  }
0x1af: {  	[tilespmem:s0], [sflag:$0x2] =	stream.indirect_vreg.gather [hbm4b:s4+s20], $0x80, v3, vm0, $0xb8;
	[tilespmem:$0x10100] =	vst v63  }
0x1b0: {  	_ = 	snop  }
0x1b1: {  	[tilespmem:s2], [sflag:$0x2] =	stream.indirect_vreg.gather [hbm4b:s6+s20], $0x80, v3, vm0, $0xb8;
	[tilespmem:$0x10100] =	vst v63  }
0x1b2: {  	_ = 	snop  }
0x1b3: {  	[tilespmem:s8], [sflag:$0x2] =	stream.indirect_vreg.gather [hbm4b:s7+s20], $0x80, v3, vm0, $0xb8;
	[tilespmem:$0x10100] =	vst v63  }
0x1b4: {  	_ = 	snop  }
0x1b5: {  	[tilespmem:s13], [sflag:$0x2] =	stream.indirect_vreg.gather [hbm4b:s9+s20], $0x80, v3, vm0, $0xb8;
	[tilespmem:$0x10100] =	vst v63  }
0x1b6: {  	_ = 	snop  }
0x1b7: {  	[tilespmem:s14], [sflag:$0x2] =	stream.indirect_vreg.gather [hbm4b:s10+s20], $0x80, v3, vm0, $0xb8;
	[tilespmem:$0x10100] =	vst v63  }
0x1b8: {  	_ = 	snop  }
0x1b9: {  	[tilespmem:s15], [sflag:$0x2] =	stream.indirect_vreg.gather [hbm4b:s11+s20], $0x80, v3, vm0, $0xb8;
	[tilespmem:$0x10100] =	vst v63  }
0x1ba: {  	_ = 	snop  }
0x1bb: {  	[tilespmem:s16], [sflag:$0x2] =	stream.indirect_vreg.gather [hbm4b:s12+s20], $0x80, v3, vm0, $0xb8;
	[tilespmem:$0x10100] =	vst v63  }
0x1bc: {  	_ =	swait.ge [sflag:s17], $0x8000  }
0x1bd: {  	[sflag:s17] =	ssyncset.done $0x0  }
0x1be: {  	[sflag:s17] =	ssyncadd.s32 $0xFFFF8000  }
0x1bf: {  	s22 =	sand.u32 $0x3C00, s20;
	s23 =	sand.u32 $0x380, s20;
	_ =	swait.ge [sflag:s18], $0x8000  }
0x1c0: {  	s5 =	sor.u32 s23, s22;
	s20 =	sand.u32 $0x4070, s20;
	[sflag:s18] =	ssyncset.done $0x0  }
0x1c1: {  	s20 =	sor.u32 s20, s5;
	[sflag:s18] =	ssyncadd.s32 $0xFFFF8000  }
0x1c2: {  	v3 =	vld [tilespmem:s20+$0x8100]  }
0x1c3: {  	v4 =	vld [tilespmem:s20+$0x100];
	_ =	sdelay $0x2  }
0x1c4: {  	s25 =	simm.s32 $0x1;
	s21 =	simm.s32 $0x80  }
0x1c5: {  	s22 =	simm.s32 $0x10;
	s23 =	sand.u32 $0x3C00, s21;
	s5 =	sand.u32 $0x380, s25  }
0x1c6: {  	s25 =	sand.u32 $0x4070, s22;
	s5 =	sor.u32 s5, s23;
	s23 =	simm.s32 $0x2;
	v3 =	vadd.f32 v3, v4  }
.LBB2_8:
0x1c7: {  	p0 =	sne.s32 s23, $0x7FF;
	s5 =	sor.u32 s25, s5  }
0x1c8: {  	v4 =	vld [tilespmem:s5+$0x8100];
	[tilespmem:s20+$0x100] =	vst v3;
	s20 =	smov.u32 s5  }
0x1c9: {  	v3 =	vld [tilespmem:s20+$0x100]  }
.Ltmp3:
0x1ca: {  	(pc) =	sbr.rel @p0 .LBB2_8-.Ltmp3, $4  }
0x1cb: {  	_ = 	snop  }
0x1cc: {  	s21 =	sadd.s32 $0x80, s21  }
0x1cd: {  	s25 =	sand.u32 $0x380, s23;
	s22 =	sadd.s32 $0x10, s22;
	s5 =	sand.u32 $0x3C00, s21  }
0x1ce: {  	s23 =	sadd.s32 $0x1, s23;
	s5 =	sor.u32 s25, s5;
	s25 =	sand.u32 $0x4070, s22;
	v3 =	vadd.f32 v4, v3  }
0x1cf: {  	s5 =	sor.u32 s25, s5  }
0x1d0: {  	v4 =	vld [tilespmem:s5+$0x8100];
	[tilespmem:s20+$0x100] =	vst v3  }
0x1d1: {  	v3 =	vld [tilespmem:s5+$0x100];
	_ =	sdelay $0x4  }
0x1d2: {  	v3 =	vadd.f32 v4, v3;
	_ =	sdelay $0x1  }
0x1d3: {  	s23 =	rddreg [dreg:$0xe];
	[tilespmem:s5+$0x100] =	vst v3  }
0x1d4: {  	[hbm4b:s23+s1] =	stream.linear.scatter [tilespmem:s26], [sflag:$0x3], $0x8000, $0x38;
	[tilespmem:$0x10100] =	vst v63  }
0x1d5: {  	_ =	swait.ge [sflag:s24], $0x8000  }
0x1d6: {  	s19 =	sadd.s32 $0x1, s19;
	s25 =	rddreg [dreg:$0xf]  }
0x1d7: {  	p0 =	sne.s32 s19, s25  }
.Ltmp4:
0x1d8: {  	_ = 	snop;
	(pc) =	sbr.rel @p0 .LBB2_1-.Ltmp4, $3  }
0x1d9: {  	_ =	sdelay $0x1  }
0x1da: {  	[sflag:s24] =	ssyncset.done $0x0  }
0x1db: {  	[sflag:s24] =	ssyncadd.s32 $0xFFFF8000  }
0x1dc: {  	_ =	sfence.sel $0x180000  }
0x1dd: {  	[bflag:$0x0] =	sbarrier.arrive $0xFFFF  }
0x1de: {  	_ =	strace $0x9000004D  }
0x1df: {  	s0 =	stileid.u32;
	[bflag:$0x2] =	sbarrier.arrive $0xFFFF  }
0x1e0: {  	p0 =	sne.s32 s0, $0x0;
	s0 =	rddreg [dreg:$0x2]  }
0x1e1: {  	s0 =	sadd.s32 @!p0 $0x100000, s0  }
0x1e2: {  	[sflag:s0] =	ssyncadd.tile.s32 @!p0 $0x1;
	_ =	shalt  }
.Lfunc_end2:
_tile_overlayer_lowered:
.L_overlay_start_2:
0x1e3: {  	(tag) =	ssettag $0x2  }
0x1e4: {  	s0 =	rddreg [dreg:$0x0];
	s2 =	stileid.u32  }
0x1e5: {  	s1 =	rddreg [dreg:$0x1];
	p0 =	sne.s32 s2, $0x0  }
0x1e6: {  	s3 =	rddreg [dreg:$0x2];
	[bflag:$0x3] =	sbarrier.arrive $0xFFFF;
	s2 =	simm.s32 @!p0 $0x1C03  }
0x1e7: {  	[timem:s3], [sflag:s2] =	dma.local @!p0 [hbm:s0], s1  }
0x1e8: {  	s0 =	simm.s32 @!p0 $0x3  }
0x1e9: {  	_ =	swait.ge @!p0 [sflag:s0], s1  }
0x1ea: {  	s1 =	ssub.s32 @!p0 $0x0, s1;
	[sflag:s0] =	ssyncset.done @!p0 $0x0  }
0x1eb: {  	[sflag:s0] =	ssyncadd.s32 @!p0 s1  }
0x1ec: {  	[bflag:$0x3] =	sbarrier.arrive $0xFFFF  }
0x1ed: {  	_ =	shalt  }

</sc_bundles>
